<compile_context>
chip_gen: v7x
topology: tpu7x:2x2x1
jax: 0.10.2.dev20260603
libtpu: 0.0.44.dev20260713+nightly
codegen_flags: <defaults>
</compile_context>

<pallas_src>
import jax
import jax.numpy as jnp
from jax import lax
from jax.experimental import pallas as pl
from jax.experimental.pallas import tpu as pltpu
from jax.experimental.pallas import tpu_sc as plsc

_D = 128
_L = 50
_BATCH = 4096
_NC, _NS = 2, 16
_NW = _NC * _NS
_CPW = _BATCH // _NW
_SPLIT = 2
_CH = _CPW // _SPLIT
_NBUF = 10
_NGROUP = _L * _SPLIT // _NBUF


def _emb_body(idx_hbm, table_hbm, out_hbm, idx_v, bufs, gsems, wsems):
    wid = lax.axis_index("s") * _NC + lax.axis_index("c")
    col0 = wid * _CPW
    pltpu.sync_copy(idx_hbm.at[:, pl.ds(col0, _CPW)], idx_v)

    lpg = _NBUF // _SPLIT

    def group(g, carry):
        @pl.when(g > 0)
        def _():
            for b in range(_NBUF):
                pltpu.make_async_copy(
                    bufs.at[b], out_hbm.at[0, pl.ds(col0, _CH)],
                    wsems.at[b]).wait()
        for b in range(_NBUF):
            l = g * lpg + b // _SPLIT
            h = b % _SPLIT
            pltpu.async_copy(
                table_hbm.at[idx_v.at[l, pl.ds(h * _CH, _CH)]],
                bufs.at[b], gsems.at[b])
        for b in range(_NBUF):
            l = g * lpg + b // _SPLIT
            h = b % _SPLIT
            pltpu.make_async_copy(
                table_hbm.at[idx_v.at[0, pl.ds(0, _CH)]], bufs.at[b],
                gsems.at[b]).wait()
            pltpu.async_copy(
                bufs.at[b], out_hbm.at[l, pl.ds(col0 + h * _CH, _CH)],
                wsems.at[b])
        return carry

    lax.fori_loop(0, _NGROUP, group, 0, unroll=False)

    for b in range(_NBUF):
        pltpu.make_async_copy(
            bufs.at[b], out_hbm.at[0, pl.ds(col0, _CH)], wsems.at[b]).wait()


def kernel(input, table):
    mesh = plsc.VectorSubcoreMesh(
        core_axis_name="c", subcore_axis_name="s",
        num_cores=_NC, num_subcores=_NS)
    idx_t = jnp.transpose(input.astype(jnp.int32))
    out_t = pl.kernel(
        _emb_body,
        out_type=jax.ShapeDtypeStruct((_L, _BATCH, _D), jnp.float32),
        mesh=mesh,
        scratch_types=[
            pltpu.VMEM((_L, _CPW), jnp.int32),
            pltpu.VMEM((_NBUF, _CH, _D), jnp.float32),
            pltpu.SemaphoreType.DMA((_NBUF,)),
            pltpu.SemaphoreType.DMA((_NBUF,)),
        ],
    )(idx_t, table)
    return jnp.transpose(out_t, (1, 0, 2))

# --- scband reference (transcript-rebuilt; emitter-appended) ---
"""Pipeline reference for scband-parallel-embedding-42331197670033 (READ-ONLY COPY).

The authoritative reference and input builder live on the scoring server;
editing this copy changes nothing except your own understanding.
"""

import jax, jax.numpy as jnp
import numpy as np

NUM_EMBEDDINGS = 100000
EMBEDDING_DIM = 128
WORLD_SIZE = 1  # single-device emulation; all-reduce over 1 rank is identity
RANK = 0


def setup_inputs(seed: int = 0) -> dict:
    key = jax.random.key(seed)
    k_idx, k_tab = jax.random.split(key)
    indices = jax.random.randint(k_idx, (4096, 50), 0, NUM_EMBEDDINGS, dtype=jnp.int64 if jax.config.read('jax_enable_x64') else jnp.int32)
    # local shard of the embedding table (world_size=1 -> full table)
    local_vocab = NUM_EMBEDDINGS // WORLD_SIZE
    table = jax.random.normal(k_tab, (local_vocab, EMBEDDING_DIM), dtype=jnp.float32)
    return {"input": indices, "table": table}


def reference(input, table):
    local_vocab_size = NUM_EMBEDDINGS // WORLD_SIZE
    start = RANK * local_vocab_size
    end = start + local_vocab_size
    # mask = indices NOT owned by this rank
    mask = ~((input >= start) & (input < end))
    shifted = input - start
    shifted = jnp.where(mask, 0, shifted)
    emb = jnp.take(table, shifted, axis=0)  # [B, L, D]
    emb = jnp.where(mask[..., None], 0.0, emb)
    # all-reduce(sum) across ranks; with WORLD_SIZE=1 this is identity
    return emb

if __name__ == "__main__":
    import jax
    _d = setup_inputs()
    print(jax.jit(kernel)(*tuple(_d.values())))

</pallas_src>

<mosaic_0001>
#map = affine_map<(d0, d1) -> (0, 0)>
#map1 = affine_map<(d0, d1) -> (0, 0, 0)>
module attributes {stable_mosaic.version = 14 : i64} {
  func.func @_emb_body(%arg0: i32, %arg1: i32, %arg2: memref<50x4096xi32, #tpu.memory_space<hbm>>, %arg3: memref<100000x128xf32, #tpu.memory_space<hbm>>, %arg4: memref<50x4096x128xf32, #tpu.memory_space<hbm>>, %arg5: memref<50x128xi32, #tpu.memory_space<vmem>>, %arg6: memref<10x64x128xf32, #tpu.memory_space<vmem>>, %arg7: memref<10x!tpu.dma_semaphore, #tpu.memory_space<semaphore_mem>>, %arg8: memref<10x!tpu.dma_semaphore, #tpu.memory_space<semaphore_mem>>) attributes {dimension_semantics = [#tpu.dimension_semantics<core_parallel>, #tpu.dimension_semantics<subcore_parallel>], iteration_bounds = array<i64: 2, 16>, scalar_prefetch = 0 : i64, scratch_operands = 4 : i64, tpu.core_type = #tpu.core_type<sc_vector_subcore>, window_params = [{transform_indices = #map}, {transform_indices = #map}, {transform_indices = #map1}]} {
    %mul3A = arith.constant 2 : i32
    %mul3A_0 = arith.muli %arg1, %mul3A : i32
    %add3A = arith.addi %mul3A_0, %arg0 : i32
    %mul3A_1 = arith.constant 128 : i32
    %mul3A_2 = arith.muli %add3A, %mul3A_1 : i32
    "tpu.region"() ({
      %run_scoped3A = tpu.sem_alloc : memref<!tpu.dma_semaphore, #tpu.memory_space<semaphore_mem>>
      %dma_start3A = arith.constant 0 : i32
      %dma_start3A_197 = tpu.memref_slice %arg2[%dma_start3A, %mul3A_2] : memref<50x4096xi32, #tpu.memory_space<hbm>> -> memref<50x128xi32, #tpu.memory_space<hbm>>
      %dma_start3A_198 = arith.constant 0 : i32
      %dma_start3A_199 = tpu.memref_slice %arg2[%dma_start3A_198, %mul3A_2] : memref<50x4096xi32, #tpu.memory_space<hbm>> -> memref<50x128xi32, #tpu.memory_space<hbm>>
      tpu.enqueue_dma source(%dma_start3A_199 : memref<50x128xi32, #tpu.memory_space<hbm>>) target(%arg5 : memref<50x128xi32, #tpu.memory_space<vmem>>) target_semaphore(%run_scoped3A : memref<!tpu.dma_semaphore, #tpu.memory_space<semaphore_mem>>)
      %dma_wait3A_200 = arith.constant 0 : i32
      %dma_wait3A_201 = tpu.memref_slice %arg2[%dma_wait3A_200, %mul3A_2] : memref<50x4096xi32, #tpu.memory_space<hbm>> -> memref<50x128xi32, #tpu.memory_space<hbm>>
      %dma_wait3A_202 = arith.constant 0 : i32
      %dma_wait3A_203 = tpu.memref_slice %arg2[%dma_wait3A_202, %mul3A_2] : memref<50x4096xi32, #tpu.memory_space<hbm>> -> memref<50x128xi32, #tpu.memory_space<hbm>>
      tpu.wait_dma2 semaphore(%run_scoped3A : memref<!tpu.dma_semaphore, #tpu.memory_space<semaphore_mem>>) src(%dma_wait3A_203 : memref<50x128xi32, #tpu.memory_space<hbm>>) dst(%arg5 : memref<50x128xi32, #tpu.memory_space<vmem>>)
      tpu.yield
    }) : () -> ()
    %scan3A = arith.constant 0 : i32
    %scan3A_3 = arith.constant 0 : i32
    %scan3A_4 = arith.constant 10 : i32
    %scan3A_5 = arith.addi %scan3A_3, %scan3A_4 : i32
    %scan3A_6 = arith.constant 1 : i32
    scf.for %scan3A_197 = %scan3A_3 to %scan3A_5 step %scan3A_6  : i32 {
      %gt3A = arith.constant 0 : i32
      %gt3A_198 = arith.cmpi sgt, %scan3A_197, %gt3A : i32
      %convert_element_type3A = arith.extui %gt3A_198 : i1 to i32
      %cond3A = arith.constant 0 : i32
      %cond3A_199 = arith.cmpi ne, %convert_element_type3A, %cond3A : i32
      scf.if %cond3A_199 {
        %dma_wait3A_769 = arith.constant 0 : i32
        %dma_wait3A_770 = arith.constant 0 : i32
        %dma_wait3A_771 = arith.constant 0 : i32
        %dma_wait3A_772 = arith.constant 0 : i32
        %dma_wait3A_773 = arith.constant 0 : i32
        %dma_wait3A_774 = tpu.memref_slice %arg6[%dma_wait3A_769, %dma_wait3A_772, %dma_wait3A_773] : memref<10x64x128xf32, #tpu.memory_space<vmem>> -> memref<1x64x128xf32, #tpu.memory_space<vmem>>
        %dma_wait3A_775 = tpu.memref_squeeze %dma_wait3A_774 : memref<1x64x128xf32, #tpu.memory_space<vmem>> -> memref<64x128xf32, #tpu.memory_space<vmem>>
        %dma_wait3A_776 = arith.constant 0 : i32
        %dma_wait3A_777 = tpu.memref_slice %arg4[%dma_wait3A_770, %mul3A_2, %dma_wait3A_776] : memref<50x4096x128xf32, #tpu.memory_space<hbm>> -> memref<1x64x128xf32, #tpu.memory_space<hbm>>
        %dma_wait3A_778 = tpu.memref_squeeze %dma_wait3A_777 : memref<1x64x128xf32, #tpu.memory_space<hbm>> -> memref<64x128xf32, #tpu.memory_space<hbm>>
        %dma_wait3A_779 = tpu.memref_slice %arg8[%dma_wait3A_771] : memref<10x!tpu.dma_semaphore, #tpu.memory_space<semaphore_mem>> -> memref<1x!tpu.dma_semaphore, #tpu.memory_space<semaphore_mem>>
        %dma_wait3A_780 = tpu.memref_squeeze %dma_wait3A_779 : memref<1x!tpu.dma_semaphore, #tpu.memory_space<semaphore_mem>> -> memref<!tpu.dma_semaphore, #tpu.memory_space<semaphore_mem>>
        %dma_wait3A_781 = arith.constant 0 : i32
        %dma_wait3A_782 = tpu.memref_slice %arg4[%dma_wait3A_770, %mul3A_2, %dma_wait3A_781] : memref<50x4096x128xf32, #tpu.memory_space<hbm>> -> memref<1x64x128xf32, #tpu.memory_space<hbm>>
        %dma_wait3A_783 = tpu.memref_squeeze %dma_wait3A_782 : memref<1x64x128xf32, #tpu.memory_space<hbm>> -> memref<64x128xf32, #tpu.memory_space<hbm>>
        %dma_wait3A_784 = arith.constant 0 : i32
        %dma_wait3A_785 = arith.constant 0 : i32
        %dma_wait3A_786 = tpu.memref_slice %arg6[%dma_wait3A_769, %dma_wait3A_784, %dma_wait3A_785] : memref<10x64x128xf32, #tpu.memory_space<vmem>> -> memref<1x64x128xf32, #tpu.memory_space<vmem>>
        %dma_wait3A_787 = tpu.memref_squeeze %dma_wait3A_786 : memref<1x64x128xf32, #tpu.memory_space<vmem>> -> memref<64x128xf32, #tpu.memory_space<vmem>>
        tpu.wait_dma2 semaphore(%dma_wait3A_780 : memref<!tpu.dma_semaphore, #tpu.memory_space<semaphore_mem>>) src(%dma_wait3A_787 : memref<64x128xf32, #tpu.memory_space<vmem>>) dst(%dma_wait3A_783 : memref<64x128xf32, #tpu.memory_space<hbm>>)
        %dma_wait3A_788 = arith.constant 1 : i32
        %dma_wait3A_789 = arith.constant 0 : i32
        %dma_wait3A_790 = arith.constant 1 : i32
        %dma_wait3A_791 = arith.constant 0 : i32
        %dma_wait3A_792 = arith.constant 0 : i32
        %dma_wait3A_793 = tpu.memref_slice %arg6[%dma_wait3A_788, %dma_wait3A_791, %dma_wait3A_792] : memref<10x64x128xf32, #tpu.memory_space<vmem>> -> memref<1x64x128xf32, #tpu.memory_space<vmem>>
        %dma_wait3A_794 = tpu.memref_squeeze %dma_wait3A_793 : memref<1x64x128xf32, #tpu.memory_space<vmem>> -> memref<64x128xf32, #tpu.memory_space<vmem>>
        %dma_wait3A_795 = arith.constant 0 : i32
        %dma_wait3A_796 = tpu.memref_slice %arg4[%dma_wait3A_789, %mul3A_2, %dma_wait3A_795] : memref<50x4096x128xf32, #tpu.memory_space<hbm>> -> memref<1x64x128xf32, #tpu.memory_space<hbm>>
        %dma_wait3A_797 = tpu.memref_squeeze %dma_wait3A_796 : memref<1x64x128xf32, #tpu.memory_space<hbm>> -> memref<64x128xf32, #tpu.memory_space<hbm>>
        %dma_wait3A_798 = tpu.memref_slice %arg8[%dma_wait3A_790] : memref<10x!tpu.dma_semaphore, #tpu.memory_space<semaphore_mem>> -> memref<1x!tpu.dma_semaphore, #tpu.memory_space<semaphore_mem>>
        %dma_wait3A_799 = tpu.memref_squeeze %dma_wait3A_798 : memref<1x!tpu.dma_semaphore, #tpu.memory_space<semaphore_mem>> -> memref<!tpu.dma_semaphore, #tpu.memory_space<semaphore_mem>>
        %dma_wait3A_800 = arith.constant 0 : i32
        %dma_wait3A_801 = tpu.memref_slice %arg4[%dma_wait3A_789, %mul3A_2, %dma_wait3A_800] : memref<50x4096x128xf32, #tpu.memory_space<hbm>> -> memref<1x64x128xf32, #tpu.memory_space<hbm>>
        %dma_wait3A_802 = tpu.memref_squeeze %dma_wait3A_801 : memref<1x64x128xf32, #tpu.memory_space<hbm>> -> memref<64x128xf32, #tpu.memory_space<hbm>>
        %dma_wait3A_803 = arith.constant 0 : i32
        %dma_wait3A_804 = arith.constant 0 : i32
        %dma_wait3A_805 = tpu.memref_slice %arg6[%dma_wait3A_788, %dma_wait3A_803, %dma_wait3A_804] : memref<10x64x128xf32, #tpu.memory_space<vmem>> -> memref<1x64x128xf32, #tpu.memory_space<vmem>>
        %dma_wait3A_806 = tpu.memref_squeeze %dma_wait3A_805 : memref<1x64x128xf32, #tpu.memory_space<vmem>> -> memref<64x128xf32, #tpu.memory_space<vmem>>
        tpu.wait_dma2 semaphore(%dma_wait3A_799 : memref<!tpu.dma_semaphore, #tpu.memory_space<semaphore_mem>>) src(%dma_wait3A_806 : memref<64x128xf32, #tpu.memory_space<vmem>>) dst(%dma_wait3A_802 : memref<64x128xf32, #tpu.memory_space<hbm>>)
        %dma_wait3A_807 = arith.constant 2 : i32
        %dma_wait3A_808 = arith.constant 0 : i32
        %dma_wait3A_809 = arith.constant 2 : i32
        %dma_wait3A_810 = arith.constant 0 : i32
        %dma_wait3A_811 = arith.constant 0 : i32
        %dma_wait3A_812 = tpu.memref_slice %arg6[%dma_wait3A_807, %dma_wait3A_810, %dma_wait3A_811] : memref<10x64x128xf32, #tpu.memory_space<vmem>> -> memref<1x64x128xf32, #tpu.memory_space<vmem>>
        %dma_wait3A_813 = tpu.memref_squeeze %dma_wait3A_812 : memref<1x64x128xf32, #tpu.memory_space<vmem>> -> memref<64x128xf32, #tpu.memory_space<vmem>>
        %dma_wait3A_814 = arith.constant 0 : i32
        %dma_wait3A_815 = tpu.memref_slice %arg4[%dma_wait3A_808, %mul3A_2, %dma_wait3A_814] : memref<50x4096x128xf32, #tpu.memory_space<hbm>> -> memref<1x64x128xf32, #tpu.memory_space<hbm>>
        %dma_wait3A_816 = tpu.memref_squeeze %dma_wait3A_815 : memref<1x64x128xf32, #tpu.memory_space<hbm>> -> memref<64x128xf32, #tpu.memory_space<hbm>>
        %dma_wait3A_817 = tpu.memref_slice %arg8[%dma_wait3A_809] : memref<10x!tpu.dma_semaphore, #tpu.memory_space<semaphore_mem>> -> memref<1x!tpu.dma_semaphore, #tpu.memory_space<semaphore_mem>>
        %dma_wait3A_818 = tpu.memref_squeeze %dma_wait3A_817 : memref<1x!tpu.dma_semaphore, #tpu.memory_space<semaphore_mem>> -> memref<!tpu.dma_semaphore, #tpu.memory_space<semaphore_mem>>
        %dma_wait3A_819 = arith.constant 0 : i32
        %dma_wait3A_820 = tpu.memref_slice %arg4[%dma_wait3A_808, %mul3A_2, %dma_wait3A_819] : memref<50x4096x128xf32, #tpu.memory_space<hbm>> -> memref<1x64x128xf32, #tpu.memory_space<hbm>>
        %dma_wait3A_821 = tpu.memref_squeeze %dma_wait3A_820 : memref<1x64x128xf32, #tpu.memory_space<hbm>> -> memref<64x128xf32, #tpu.memory_space<hbm>>
        %dma_wait3A_822 = arith.constant 0 : i32
        %dma_wait3A_823 = arith.constant 0 : i32
        %dma_wait3A_824 = tpu.memref_slice %arg6[%dma_wait3A_807, %dma_wait3A_822, %dma_wait3A_823] : memref<10x64x128xf32, #tpu.memory_space<vmem>> -> memref<1x64x128xf32, #tpu.memory_space<vmem>>
        %dma_wait3A_825 = tpu.memref_squeeze %dma_wait3A_824 : memref<1x64x128xf32, #tpu.memory_space<vmem>> -> memref<64x128xf32, #tpu.memory_space<vmem>>
        tpu.wait_dma2 semaphore(%dma_wait3A_818 : memref<!tpu.dma_semaphore, #tpu.memory_space<semaphore_mem>>) src(%dma_wait3A_825 : memref<64x128xf32, #tpu.memory_space<vmem>>) dst(%dma_wait3A_821 : memref<64x128xf32, #tpu.memory_space<hbm>>)
        %dma_wait3A_826 = arith.constant 3 : i32
        %dma_wait3A_827 = arith.constant 0 : i32
        %dma_wait3A_828 = arith.constant 3 : i32
        %dma_wait3A_829 = arith.constant 0 : i32
        %dma_wait3A_830 = arith.constant 0 : i32
        %dma_wait3A_831 = tpu.memref_slice %arg6[%dma_wait3A_826, %dma_wait3A_829, %dma_wait3A_830] : memref<10x64x128xf32, #tpu.memory_space<vmem>> -> memref<1x64x128xf32, #tpu.memory_space<vmem>>
        %dma_wait3A_832 = tpu.memref_squeeze %dma_wait3A_831 : memref<1x64x128xf32, #tpu.memory_space<vmem>> -> memref<64x128xf32, #tpu.memory_space<vmem>>
        %dma_wait3A_833 = arith.constant 0 : i32
        %dma_wait3A_834 = tpu.memref_slice %arg4[%dma_wait3A_827, %mul3A_2, %dma_wait3A_833] : memref<50x4096x128xf32, #tpu.memory_space<hbm>> -> memref<1x64x128xf32, #tpu.memory_space<hbm>>
        %dma_wait3A_835 = tpu.memref_squeeze %dma_wait3A_834 : memref<1x64x128xf32, #tpu.memory_space<hbm>> -> memref<64x128xf32, #tpu.memory_space<hbm>>
        %dma_wait3A_836 = tpu.memref_slice %arg8[%dma_wait3A_828] : memref<10x!tpu.dma_semaphore, #tpu.memory_space<semaphore_mem>> -> memref<1x!tpu.dma_semaphore, #tpu.memory_space<semaphore_mem>>
        %dma_wait3A_837 = tpu.memref_squeeze %dma_wait3A_836 : memref<1x!tpu.dma_semaphore, #tpu.memory_space<semaphore_mem>> -> memref<!tpu.dma_semaphore, #tpu.memory_space<semaphore_mem>>
        %dma_wait3A_838 = arith.constant 0 : i32
        %dma_wait3A_839 = tpu.memref_slice %arg4[%dma_wait3A_827, %mul3A_2, %dma_wait3A_838] : memref<50x4096x128xf32, #tpu.memory_space<hbm>> -> memref<1x64x128xf32, #tpu.memory_space<hbm>>
        %dma_wait3A_840 = tpu.memref_squeeze %dma_wait3A_839 : memref<1x64x128xf32, #tpu.memory_space<hbm>> -> memref<64x128xf32, #tpu.memory_space<hbm>>
        %dma_wait3A_841 = arith.constant 0 : i32
        %dma_wait3A_842 = arith.constant 0 : i32
        %dma_wait3A_843 = tpu.memref_slice %arg6[%dma_wait3A_826, %dma_wait3A_841, %dma_wait3A_842] : memref<10x64x128xf32, #tpu.memory_space<vmem>> -> memref<1x64x128xf32, #tpu.memory_space<vmem>>
        %dma_wait3A_844 = tpu.memref_squeeze %dma_wait3A_843 : memref<1x64x128xf32, #tpu.memory_space<vmem>> -> memref<64x128xf32, #tpu.memory_space<vmem>>
        tpu.wait_dma2 semaphore(%dma_wait3A_837 : memref<!tpu.dma_semaphore, #tpu.memory_space<semaphore_mem>>) src(%dma_wait3A_844 : memref<64x128xf32, #tpu.memory_space<vmem>>) dst(%dma_wait3A_840 : memref<64x128xf32, #tpu.memory_space<hbm>>)
        %dma_wait3A_845 = arith.constant 4 : i32
        %dma_wait3A_846 = arith.constant 0 : i32
        %dma_wait3A_847 = arith.constant 4 : i32
        %dma_wait3A_848 = arith.constant 0 : i32
        %dma_wait3A_849 = arith.constant 0 : i32
        %dma_wait3A_850 = tpu.memref_slice %arg6[%dma_wait3A_845, %dma_wait3A_848, %dma_wait3A_849] : memref<10x64x128xf32, #tpu.memory_space<vmem>> -> memref<1x64x128xf32, #tpu.memory_space<vmem>>
        %dma_wait3A_851 = tpu.memref_squeeze %dma_wait3A_850 : memref<1x64x128xf32, #tpu.memory_space<vmem>> -> memref<64x128xf32, #tpu.memory_space<vmem>>
        %dma_wait3A_852 = arith.constant 0 : i32
        %dma_wait3A_853 = tpu.memref_slice %arg4[%dma_wait3A_846, %mul3A_2, %dma_wait3A_852] : memref<50x4096x128xf32, #tpu.memory_space<hbm>> -> memref<1x64x128xf32, #tpu.memory_space<hbm>>
        %dma_wait3A_854 = tpu.memref_squeeze %dma_wait3A_853 : memref<1x64x128xf32, #tpu.memory_space<hbm>> -> memref<64x128xf32, #tpu.memory_space<hbm>>
        %dma_wait3A_855 = tpu.memref_slice %arg8[%dma_wait3A_847] : memref<10x!tpu.dma_semaphore, #tpu.memory_space<semaphore_mem>> -> memref<1x!tpu.dma_semaphore, #tpu.memory_space<semaphore_mem>>
        %dma_wait3A_856 = tpu.memref_squeeze %dma_wait3A_855 : memref<1x!tpu.dma_semaphore, #tpu.memory_space<semaphore_mem>> -> memref<!tpu.dma_semaphore, #tpu.memory_space<semaphore_mem>>
        %dma_wait3A_857 = arith.constant 0 : i32
        %dma_wait3A_858 = tpu.memref_slice %arg4[%dma_wait3A_846, %mul3A_2, %dma_wait3A_857] : memref<50x4096x128xf32, #tpu.memory_space<hbm>> -> memref<1x64x128xf32, #tpu.memory_space<hbm>>
        %dma_wait3A_859 = tpu.memref_squeeze %dma_wait3A_858 : memref<1x64x128xf32, #tpu.memory_space<hbm>> -> memref<64x128xf32, #tpu.memory_space<hbm>>
        %dma_wait3A_860 = arith.constant 0 : i32
        %dma_wait3A_861 = arith.constant 0 : i32
        %dma_wait3A_862 = tpu.memref_slice %arg6[%dma_wait3A_845, %dma_wait3A_860, %dma_wait3A_861] : memref<10x64x128xf32, #tpu.memory_space<vmem>> -> memref<1x64x128xf32, #tpu.memory_space<vmem>>
        %dma_wait3A_863 = tpu.memref_squeeze %dma_wait3A_862 : memref<1x64x128xf32, #tpu.memory_space<vmem>> -> memref<64x128xf32, #tpu.memory_space<vmem>>
        tpu.wait_dma2 semaphore(%dma_wait3A_856 : memref<!tpu.dma_semaphore, #tpu.memory_space<semaphore_mem>>) src(%dma_wait3A_863 : memref<64x128xf32, #tpu.memory_space<vmem>>) dst(%dma_wait3A_859 : memref<64x128xf32, #tpu.memory_space<hbm>>)
        %dma_wait3A_864 = arith.constant 5 : i32
        %dma_wait3A_865 = arith.constant 0 : i32
        %dma_wait3A_866 = arith.constant 5 : i32
        %dma_wait3A_867 = arith.constant 0 : i32
        %dma_wait3A_868 = arith.constant 0 : i32
        %dma_wait3A_869 = tpu.memref_slice %arg6[%dma_wait3A_864, %dma_wait3A_867, %dma_wait3A_868] : memref<10x64x128xf32, #tpu.memory_space<vmem>> -> memref<1x64x128xf32, #tpu.memory_space<vmem>>
        %dma_wait3A_870 = tpu.memref_squeeze %dma_wait3A_869 : memref<1x64x128xf32, #tpu.memory_space<vmem>> -> memref<64x128xf32, #tpu.memory_space<vmem>>
        %dma_wait3A_871 = arith.constant 0 : i32
        %dma_wait3A_872 = tpu.memref_slice %arg4[%dma_wait3A_865, %mul3A_2, %dma_wait3A_871] : memref<50x4096x128xf32, #tpu.memory_space<hbm>> -> memref<1x64x128xf32, #tpu.memory_space<hbm>>
        %dma_wait3A_873 = tpu.memref_squeeze %dma_wait3A_872 : memref<1x64x128xf32, #tpu.memory_space<hbm>> -> memref<64x128xf32, #tpu.memory_space<hbm>>
        %dma_wait3A_874 = tpu.memref_slice %arg8[%dma_wait3A_866] : memref<10x!tpu.dma_semaphore, #tpu.memory_space<semaphore_mem>> -> memref<1x!tpu.dma_semaphore, #tpu.memory_space<semaphore_mem>>
        %dma_wait3A_875 = tpu.memref_squeeze %dma_wait3A_874 : memref<1x!tpu.dma_semaphore, #tpu.memory_space<semaphore_mem>> -> memref<!tpu.dma_semaphore, #tpu.memory_space<semaphore_mem>>
        %dma_wait3A_876 = arith.constant 0 : i32
        %dma_wait3A_877 = tpu.memref_slice %arg4[%dma_wait3A_865, %mul3A_2, %dma_wait3A_876] : memref<50x4096x128xf32, #tpu.memory_space<hbm>> -> memref<1x64x128xf32, #tpu.memory_space<hbm>>
        %dma_wait3A_878 = tpu.memref_squeeze %dma_wait3A_877 : memref<1x64x128xf32, #tpu.memory_space<hbm>> -> memref<64x128xf32, #tpu.memory_space<hbm>>
        %dma_wait3A_879 = arith.constant 0 : i32
        %dma_wait3A_880 = arith.constant 0 : i32
        %dma_wait3A_881 = tpu.memref_slice %arg6[%dma_wait3A_864, %dma_wait3A_879, %dma_wait3A_880] : memref<10x64x128xf32, #tpu.memory_space<vmem>> -> memref<1x64x128xf32, #tpu.memory_space<vmem>>
        %dma_wait3A_882 = tpu.memref_squeeze %dma_wait3A_881 : memref<1x64x128xf32, #tpu.memory_space<vmem>> -> memref<64x128xf32, #tpu.memory_space<vmem>>
        tpu.wait_dma2 semaphore(%dma_wait3A_875 : memref<!tpu.dma_semaphore, #tpu.memory_space<semaphore_mem>>) src(%dma_wait3A_882 : memref<64x128xf32, #tpu.memory_space<vmem>>) dst(%dma_wait3A_878 : memref<64x128xf32, #tpu.memory_space<hbm>>)
        %dma_wait3A_883 = arith.constant 6 : i32
        %dma_wait3A_884 = arith.constant 0 : i32
        %dma_wait3A_885 = arith.constant 6 : i32
        %dma_wait3A_886 = arith.constant 0 : i32
        %dma_wait3A_887 = arith.constant 0 : i32
        %dma_wait3A_888 = tpu.memref_slice %arg6[%dma_wait3A_883, %dma_wait3A_886, %dma_wait3A_887] : memref<10x64x128xf32, #tpu.memory_space<vmem>> -> memref<1x64x128xf32, #tpu.memory_space<vmem>>
        %dma_wait3A_889 = tpu.memref_squeeze %dma_wait3A_888 : memref<1x64x128xf32, #tpu.memory_space<vmem>> -> memref<64x128xf32, #tpu.memory_space<vmem>>
        %dma_wait3A_890 = arith.constant 0 : i32
        %dma_wait3A_891 = tpu.memref_slice %arg4[%dma_wait3A_884, %mul3A_2, %dma_wait3A_890] : memref<50x4096x128xf32, #tpu.memory_space<hbm>> -> memref<1x64x128xf32, #tpu.memory_space<hbm>>
        %dma_wait3A_892 = tpu.memref_squeeze %dma_wait3A_891 : memref<1x64x128xf32, #tpu.memory_space<hbm>> -> memref<64x128xf32, #tpu.memory_space<hbm>>
        %dma_wait3A_893 = tpu.memref_slice %arg8[%dma_wait3A_885] : memref<10x!tpu.dma_semaphore, #tpu.memory_space<semaphore_mem>> -> memref<1x!tpu.dma_semaphore, #tpu.memory_space<semaphore_mem>>
        %dma_wait3A_894 = tpu.memref_squeeze %dma_wait3A_893 : memref<1x!tpu.dma_semaphore, #tpu.memory_space<semaphore_mem>> -> memref<!tpu.dma_semaphore, #tpu.memory_space<semaphore_mem>>
        %dma_wait3A_895 = arith.constant 0 : i32
        %dma_wait3A_896 = tpu.memref_slice %arg4[%dma_wait3A_884, %mul3A_2, %dma_wait3A_895] : memref<50x4096x128xf32, #tpu.memory_space<hbm>> -> memref<1x64x128xf32, #tpu.memory_space<hbm>>
        %dma_wait3A_897 = tpu.memref_squeeze %dma_wait3A_896 : memref<1x64x128xf32, #tpu.memory_space<hbm>> -> memref<64x128xf32, #tpu.memory_space<hbm>>
        %dma_wait3A_898 = arith.constant 0 : i32
        %dma_wait3A_899 = arith.constant 0 : i32
        %dma_wait3A_900 = tpu.memref_slice %arg6[%dma_wait3A_883, %dma_wait3A_898, %dma_wait3A_899] : memref<10x64x128xf32, #tpu.memory_space<vmem>> -> memref<1x64x128xf32, #tpu.memory_space<vmem>>
        %dma_wait3A_901 = tpu.memref_squeeze %dma_wait3A_900 : memref<1x64x128xf32, #tpu.memory_space<vmem>> -> memref<64x128xf32, #tpu.memory_space<vmem>>
        tpu.wait_dma2 semaphore(%dma_wait3A_894 : memref<!tpu.dma_semaphore, #tpu.memory_space<semaphore_mem>>) src(%dma_wait3A_901 : memref<64x128xf32, #tpu.memory_space<vmem>>) dst(%dma_wait3A_897 : memref<64x128xf32, #tpu.memory_space<hbm>>)
        %dma_wait3A_902 = arith.constant 7 : i32
        %dma_wait3A_903 = arith.constant 0 : i32
        %dma_wait3A_904 = arith.constant 7 : i32
        %dma_wait3A_905 = arith.constant 0 : i32
        %dma_wait3A_906 = arith.constant 0 : i32
        %dma_wait3A_907 = tpu.memref_slice %arg6[%dma_wait3A_902, %dma_wait3A_905, %dma_wait3A_906] : memref<10x64x128xf32, #tpu.memory_space<vmem>> -> memref<1x64x128xf32, #tpu.memory_space<vmem>>
        %dma_wait3A_908 = tpu.memref_squeeze %dma_wait3A_907 : memref<1x64x128xf32, #tpu.memory_space<vmem>> -> memref<64x128xf32, #tpu.memory_space<vmem>>
        %dma_wait3A_909 = arith.constant 0 : i32
        %dma_wait3A_910 = tpu.memref_slice %arg4[%dma_wait3A_903, %mul3A_2, %dma_wait3A_909] : memref<50x4096x128xf32, #tpu.memory_space<hbm>> -> memref<1x64x128xf32, #tpu.memory_space<hbm>>
        %dma_wait3A_911 = tpu.memref_squeeze %dma_wait3A_910 : memref<1x64x128xf32, #tpu.memory_space<hbm>> -> memref<64x128xf32, #tpu.memory_space<hbm>>
        %dma_wait3A_912 = tpu.memref_slice %arg8[%dma_wait3A_904] : memref<10x!tpu.dma_semaphore, #tpu.memory_space<semaphore_mem>> -> memref<1x!tpu.dma_semaphore, #tpu.memory_space<semaphore_mem>>
        %dma_wait3A_913 = tpu.memref_squeeze %dma_wait3A_912 : memref<1x!tpu.dma_semaphore, #tpu.memory_space<semaphore_mem>> -> memref<!tpu.dma_semaphore, #tpu.memory_space<semaphore_mem>>
        %dma_wait3A_914 = arith.constant 0 : i32
        %dma_wait3A_915 = tpu.memref_slice %arg4[%dma_wait3A_903, %mul3A_2, %dma_wait3A_914] : memref<50x4096x128xf32, #tpu.memory_space<hbm>> -> memref<1x64x128xf32, #tpu.memory_space<hbm>>
        %dma_wait3A_916 = tpu.memref_squeeze %dma_wait3A_915 : memref<1x64x128xf32, #tpu.memory_space<hbm>> -> memref<64x128xf32, #tpu.memory_space<hbm>>
        %dma_wait3A_917 = arith.constant 0 : i32
        %dma_wait3A_918 = arith.constant 0 : i32
        %dma_wait3A_919 = tpu.memref_slice %arg6[%dma_wait3A_902, %dma_wait3A_917, %dma_wait3A_918] : memref<10x64x128xf32, #tpu.memory_space<vmem>> -> memref<1x64x128xf32, #tpu.memory_space<vmem>>
        %dma_wait3A_920 = tpu.memref_squeeze %dma_wait3A_919 : memref<1x64x128xf32, #tpu.memory_space<vmem>> -> memref<64x128xf32, #tpu.memory_space<vmem>>
        tpu.wait_dma2 semaphore(%dma_wait3A_913 : memref<!tpu.dma_semaphore, #tpu.memory_space<semaphore_mem>>) src(%dma_wait3A_920 : memref<64x128xf32, #tpu.memory_space<vmem>>) dst(%dma_wait3A_916 : memref<64x128xf32, #tpu.memory_space<hbm>>)
        %dma_wait3A_921 = arith.constant 8 : i32
        %dma_wait3A_922 = arith.constant 0 : i32
        %dma_wait3A_923 = arith.constant 8 : i32
        %dma_wait3A_924 = arith.constant 0 : i32
        %dma_wait3A_925 = arith.constant 0 : i32
        %dma_wait3A_926 = tpu.memref_slice %arg6[%dma_wait3A_921, %dma_wait3A_924, %dma_wait3A_925] : memref<10x64x128xf32, #tpu.memory_space<vmem>> -> memref<1x64x128xf32, #tpu.memory_space<vmem>>
        %dma_wait3A_927 = tpu.memref_squeeze %dma_wait3A_926 : memref<1x64x128xf32, #tpu.memory_space<vmem>> -> memref<64x128xf32, #tpu.memory_space<vmem>>
        %dma_wait3A_928 = arith.constant 0 : i32
        %dma_wait3A_929 = tpu.memref_slice %arg4[%dma_wait3A_922, %mul3A_2, %dma_wait3A_928] : memref<50x4096x128xf32, #tpu.memory_space<hbm>> -> memref<1x64x128xf32, #tpu.memory_space<hbm>>
        %dma_wait3A_930 = tpu.memref_squeeze %dma_wait3A_929 : memref<1x64x128xf32, #tpu.memory_space<hbm>> -> memref<64x128xf32, #tpu.memory_space<hbm>>
        %dma_wait3A_931 = tpu.memref_slice %arg8[%dma_wait3A_923] : memref<10x!tpu.dma_semaphore, #tpu.memory_space<semaphore_mem>> -> memref<1x!tpu.dma_semaphore, #tpu.memory_space<semaphore_mem>>
        %dma_wait3A_932 = tpu.memref_squeeze %dma_wait3A_931 : memref<1x!tpu.dma_semaphore, #tpu.memory_space<semaphore_mem>> -> memref<!tpu.dma_semaphore, #tpu.memory_space<semaphore_mem>>
        %dma_wait3A_933 = arith.constant 0 : i32
        %dma_wait3A_934 = tpu.memref_slice %arg4[%dma_wait3A_922, %mul3A_2, %dma_wait3A_933] : memref<50x4096x128xf32, #tpu.memory_space<hbm>> -> memref<1x64x128xf32, #tpu.memory_space<hbm>>
        %dma_wait3A_935 = tpu.memref_squeeze %dma_wait3A_934 : memref<1x64x128xf32, #tpu.memory_space<hbm>> -> memref<64x128xf32, #tpu.memory_space<hbm>>
        %dma_wait3A_936 = arith.constant 0 : i32
        %dma_wait3A_937 = arith.constant 0 : i32
        %dma_wait3A_938 = tpu.memref_slice %arg6[%dma_wait3A_921, %dma_wait3A_936, %dma_wait3A_937] : memref<10x64x128xf32, #tpu.memory_space<vmem>> -> memref<1x64x128xf32, #tpu.memory_space<vmem>>
        %dma_wait3A_939 = tpu.memref_squeeze %dma_wait3A_938 : memref<1x64x128xf32, #tpu.memory_space<vmem>> -> memref<64x128xf32, #tpu.memory_space<vmem>>
        tpu.wait_dma2 semaphore(%dma_wait3A_932 : memref<!tpu.dma_semaphore, #tpu.memory_space<semaphore_mem>>) src(%dma_wait3A_939 : memref<64x128xf32, #tpu.memory_space<vmem>>) dst(%dma_wait3A_935 : memref<64x128xf32, #tpu.memory_space<hbm>>)
        %dma_wait3A_940 = arith.constant 9 : i32
        %dma_wait3A_941 = arith.constant 0 : i32
        %dma_wait3A_942 = arith.constant 9 : i32
        %dma_wait3A_943 = arith.constant 0 : i32
        %dma_wait3A_944 = arith.constant 0 : i32
        %dma_wait3A_945 = tpu.memref_slice %arg6[%dma_wait3A_940, %dma_wait3A_943, %dma_wait3A_944] : memref<10x64x128xf32, #tpu.memory_space<vmem>> -> memref<1x64x128xf32, #tpu.memory_space<vmem>>
        %dma_wait3A_946 = tpu.memref_squeeze %dma_wait3A_945 : memref<1x64x128xf32, #tpu.memory_space<vmem>> -> memref<64x128xf32, #tpu.memory_space<vmem>>
        %dma_wait3A_947 = arith.constant 0 : i32
        %dma_wait3A_948 = tpu.memref_slice %arg4[%dma_wait3A_941, %mul3A_2, %dma_wait3A_947] : memref<50x4096x128xf32, #tpu.memory_space<hbm>> -> memref<1x64x128xf32, #tpu.memory_space<hbm>>
        %dma_wait3A_949 = tpu.memref_squeeze %dma_wait3A_948 : memref<1x64x128xf32, #tpu.memory_space<hbm>> -> memref<64x128xf32, #tpu.memory_space<hbm>>
        %dma_wait3A_950 = tpu.memref_slice %arg8[%dma_wait3A_942] : memref<10x!tpu.dma_semaphore, #tpu.memory_space<semaphore_mem>> -> memref<1x!tpu.dma_semaphore, #tpu.memory_space<semaphore_mem>>
        %dma_wait3A_951 = tpu.memref_squeeze %dma_wait3A_950 : memref<1x!tpu.dma_semaphore, #tpu.memory_space<semaphore_mem>> -> memref<!tpu.dma_semaphore, #tpu.memory_space<semaphore_mem>>
        %dma_wait3A_952 = arith.constant 0 : i32
        %dma_wait3A_953 = tpu.memref_slice %arg4[%dma_wait3A_941, %mul3A_2, %dma_wait3A_952] : memref<50x4096x128xf32, #tpu.memory_space<hbm>> -> memref<1x64x128xf32, #tpu.memory_space<hbm>>
        %dma_wait3A_954 = tpu.memref_squeeze %dma_wait3A_953 : memref<1x64x128xf32, #tpu.memory_space<hbm>> -> memref<64x128xf32, #tpu.memory_space<hbm>>
        %dma_wait3A_955 = arith.constant 0 : i32
        %dma_wait3A_956 = arith.constant 0 : i32
        %dma_wait3A_957 = tpu.memref_slice %arg6[%dma_wait3A_940, %dma_wait3A_955, %dma_wait3A_956] : memref<10x64x128xf32, #tpu.memory_space<vmem>> -> memref<1x64x128xf32, #tpu.memory_space<vmem>>
        %dma_wait3A_958 = tpu.memref_squeeze %dma_wait3A_957 : memref<1x64x128xf32, #tpu.memory_space<vmem>> -> memref<64x128xf32, #tpu.memory_space<vmem>>
        tpu.wait_dma2 semaphore(%dma_wait3A_951 : memref<!tpu.dma_semaphore, #tpu.memory_space<semaphore_mem>>) src(%dma_wait3A_958 : memref<64x128xf32, #tpu.memory_space<vmem>>) dst(%dma_wait3A_954 : memref<64x128xf32, #tpu.memory_space<hbm>>)
      } else {
      }
      %mul3A_200 = arith.constant 5 : i32
      %mul3A_201 = arith.muli %scan3A_197, %mul3A_200 : i32
      %add3A_202 = arith.constant 0 : i32
      %add3A_203 = arith.addi %mul3A_201, %add3A_202 : i32
      %dma_start3A = arith.constant 0 : i32
      %dma_start3A_204 = arith.constant 0 : i32
      %dma_start3A_205 = arith.constant 0 : i32
      %dma_start3A_206 = arith.constant 0 : i32
      %dma_start3A_207 = tpu.memref_slice %arg6[%dma_start3A, %dma_start3A_205, %dma_start3A_206] : memref<10x64x128xf32, #tpu.memory_space<vmem>> -> memref<1x64x128xf32, #tpu.memory_space<vmem>>
      %dma_start3A_208 = tpu.memref_squeeze %dma_start3A_207 : memref<1x64x128xf32, #tpu.memory_space<vmem>> -> memref<64x128xf32, #tpu.memory_space<vmem>>
      %dma_start3A_209 = arith.constant 0 : i32
      %dma_start3A_210 = tpu.memref_slice %arg5[%add3A_203, %dma_start3A_209] : memref<50x128xi32, #tpu.memory_space<vmem>> -> memref<1x64xi32, #tpu.memory_space<vmem>>
      %dma_start3A_211 = tpu.memref_squeeze %dma_start3A_210 : memref<1x64xi32, #tpu.memory_space<vmem>> -> memref<64xi32, #tpu.memory_space<vmem>>
      %dma_start3A_212 = arith.constant 0 : i32
      %dma_start3A_213 = arith.constant 0 : i32
      %dma_start3A_214 = tpu.memref_slice %arg3[%dma_start3A_212, %dma_start3A_213] : memref<100000x128xf32, #tpu.memory_space<hbm>> -> memref<100000x128xf32, #tpu.memory_space<hbm>>
      %dma_start3A_215 = tpu.memref_slice %arg7[%dma_start3A_204] : memref<10x!tpu.dma_semaphore, #tpu.memory_space<semaphore_mem>> -> memref<1x!tpu.dma_semaphore, #tpu.memory_space<semaphore_mem>>
      %dma_start3A_216 = tpu.memref_squeeze %dma_start3A_215 : memref<1x!tpu.dma_semaphore, #tpu.memory_space<semaphore_mem>> -> memref<!tpu.dma_semaphore, #tpu.memory_space<semaphore_mem>>
      tpu.enqueue_indirect_dma source(%dma_start3A_214 : memref<100000x128xf32, #tpu.memory_space<hbm>>) target(%dma_start3A_208 : memref<64x128xf32, #tpu.memory_space<vmem>>) offsets(%dma_start3A_211 : memref<64xi32, #tpu.memory_space<vmem>>) semaphore(%dma_start3A_216 : memref<!tpu.dma_semaphore, #tpu.memory_space<semaphore_mem>>)
      %mul3A_217 = arith.constant 5 : i32
      %mul3A_218 = arith.muli %scan3A_197, %mul3A_217 : i32
      %add3A_219 = arith.constant 0 : i32
      %add3A_220 = arith.addi %mul3A_218, %add3A_219 : i32
      %dma_start3A_221 = arith.constant 1 : i32
      %dma_start3A_222 = arith.constant 1 : i32
      %dma_start3A_223 = arith.constant 0 : i32
      %dma_start3A_224 = arith.constant 0 : i32
      %dma_start3A_225 = tpu.memref_slice %arg6[%dma_start3A_221, %dma_start3A_223, %dma_start3A_224] : memref<10x64x128xf32, #tpu.memory_space<vmem>> -> memref<1x64x128xf32, #tpu.memory_space<vmem>>
      %dma_start3A_226 = tpu.memref_squeeze %dma_start3A_225 : memref<1x64x128xf32, #tpu.memory_space<vmem>> -> memref<64x128xf32, #tpu.memory_space<vmem>>
      %dma_start3A_227 = arith.constant 64 : i32
      %dma_start3A_228 = tpu.memref_slice %arg5[%add3A_220, %dma_start3A_227] : memref<50x128xi32, #tpu.memory_space<vmem>> -> memref<1x64xi32, #tpu.memory_space<vmem>>
      %dma_start3A_229 = tpu.memref_squeeze %dma_start3A_228 : memref<1x64xi32, #tpu.memory_space<vmem>> -> memref<64xi32, #tpu.memory_space<vmem>>
      %dma_start3A_230 = arith.constant 0 : i32
      %dma_start3A_231 = arith.constant 0 : i32
      %dma_start3A_232 = tpu.memref_slice %arg3[%dma_start3A_230, %dma_start3A_231] : memref<100000x128xf32, #tpu.memory_space<hbm>> -> memref<100000x128xf32, #tpu.memory_space<hbm>>
      %dma_start3A_233 = tpu.memref_slice %arg7[%dma_start3A_222] : memref<10x!tpu.dma_semaphore, #tpu.memory_space<semaphore_mem>> -> memref<1x!tpu.dma_semaphore, #tpu.memory_space<semaphore_mem>>
      %dma_start3A_234 = tpu.memref_squeeze %dma_start3A_233 : memref<1x!tpu.dma_semaphore, #tpu.memory_space<semaphore_mem>> -> memref<!tpu.dma_semaphore, #tpu.memory_space<semaphore_mem>>
      tpu.enqueue_indirect_dma source(%dma_start3A_232 : memref<100000x128xf32, #tpu.memory_space<hbm>>) target(%dma_start3A_226 : memref<64x128xf32, #tpu.memory_space<vmem>>) offsets(%dma_start3A_229 : memref<64xi32, #tpu.memory_space<vmem>>) semaphore(%dma_start3A_234 : memref<!tpu.dma_semaphore, #tpu.memory_space<semaphore_mem>>)
      %mul3A_235 = arith.constant 5 : i32
      %mul3A_236 = arith.muli %scan3A_197, %mul3A_235 : i32
      %add3A_237 = arith.constant 1 : i32
      %add3A_238 = arith.addi %mul3A_236, %add3A_237 : i32
      %dma_start3A_239 = arith.constant 2 : i32
      %dma_start3A_240 = arith.constant 2 : i32
      %dma_start3A_241 = arith.constant 0 : i32
      %dma_start3A_242 = arith.constant 0 : i32
      %dma_start3A_243 = tpu.memref_slice %arg6[%dma_start3A_239, %dma_start3A_241, %dma_start3A_242] : memref<10x64x128xf32, #tpu.memory_space<vmem>> -> memref<1x64x128xf32, #tpu.memory_space<vmem>>
      %dma_start3A_244 = tpu.memref_squeeze %dma_start3A_243 : memref<1x64x128xf32, #tpu.memory_space<vmem>> -> memref<64x128xf32, #tpu.memory_space<vmem>>
      %dma_start3A_245 = arith.constant 0 : i32
      %dma_start3A_246 = tpu.memref_slice %arg5[%add3A_238, %dma_start3A_245] : memref<50x128xi32, #tpu.memory_space<vmem>> -> memref<1x64xi32, #tpu.memory_space<vmem>>
      %dma_start3A_247 = tpu.memref_squeeze %dma_start3A_246 : memref<1x64xi32, #tpu.memory_space<vmem>> -> memref<64xi32, #tpu.memory_space<vmem>>
      %dma_start3A_248 = arith.constant 0 : i32
      %dma_start3A_249 = arith.constant 0 : i32
      %dma_start3A_250 = tpu.memref_slice %arg3[%dma_start3A_248, %dma_start3A_249] : memref<100000x128xf32, #tpu.memory_space<hbm>> -> memref<100000x128xf32, #tpu.memory_space<hbm>>
      %dma_start3A_251 = tpu.memref_slice %arg7[%dma_start3A_240] : memref<10x!tpu.dma_semaphore, #tpu.memory_space<semaphore_mem>> -> memref<1x!tpu.dma_semaphore, #tpu.memory_space<semaphore_mem>>
      %dma_start3A_252 = tpu.memref_squeeze %dma_start3A_251 : memref<1x!tpu.dma_semaphore, #tpu.memory_space<semaphore_mem>> -> memref<!tpu.dma_semaphore, #tpu.memory_space<semaphore_mem>>
      tpu.enqueue_indirect_dma source(%dma_start3A_250 : memref<100000x128xf32, #tpu.memory_space<hbm>>) target(%dma_start3A_244 : memref<64x128xf32, #tpu.memory_space<vmem>>) offsets(%dma_start3A_247 : memref<64xi32, #tpu.memory_space<vmem>>) semaphore(%dma_start3A_252 : memref<!tpu.dma_semaphore, #tpu.memory_space<semaphore_mem>>)
      %mul3A_253 = arith.constant 5 : i32
      %mul3A_254 = arith.muli %scan3A_197, %mul3A_253 : i32
      %add3A_255 = arith.constant 1 : i32
      %add3A_256 = arith.addi %mul3A_254, %add3A_255 : i32
      %dma_start3A_257 = arith.constant 3 : i32
      %dma_start3A_258 = arith.constant 3 : i32
      %dma_start3A_259 = arith.constant 0 : i32
      %dma_start3A_260 = arith.constant 0 : i32
      %dma_start3A_261 = tpu.memref_slice %arg6[%dma_start3A_257, %dma_start3A_259, %dma_start3A_260] : memref<10x64x128xf32, #tpu.memory_space<vmem>> -> memref<1x64x128xf32, #tpu.memory_space<vmem>>
      %dma_start3A_262 = tpu.memref_squeeze %dma_start3A_261 : memref<1x64x128xf32, #tpu.memory_space<vmem>> -> memref<64x128xf32, #tpu.memory_space<vmem>>
      %dma_start3A_263 = arith.constant 64 : i32
      %dma_start3A_264 = tpu.memref_slice %arg5[%add3A_256, %dma_start3A_263] : memref<50x128xi32, #tpu.memory_space<vmem>> -> memref<1x64xi32, #tpu.memory_space<vmem>>
      %dma_start3A_265 = tpu.memref_squeeze %dma_start3A_264 : memref<1x64xi32, #tpu.memory_space<vmem>> -> memref<64xi32, #tpu.memory_space<vmem>>
      %dma_start3A_266 = arith.constant 0 : i32
      %dma_start3A_267 = arith.constant 0 : i32
      %dma_start3A_268 = tpu.memref_slice %arg3[%dma_start3A_266, %dma_start3A_267] : memref<100000x128xf32, #tpu.memory_space<hbm>> -> memref<100000x128xf32, #tpu.memory_space<hbm>>
      %dma_start3A_269 = tpu.memref_slice %arg7[%dma_start3A_258] : memref<10x!tpu.dma_semaphore, #tpu.memory_space<semaphore_mem>> -> memref<1x!tpu.dma_semaphore, #tpu.memory_space<semaphore_mem>>
      %dma_start3A_270 = tpu.memref_squeeze %dma_start3A_269 : memref<1x!tpu.dma_semaphore, #tpu.memory_space<semaphore_mem>> -> memref<!tpu.dma_semaphore, #tpu.memory_space<semaphore_mem>>
      tpu.enqueue_indirect_dma source(%dma_start3A_268 : memref<100000x128xf32, #tpu.memory_space<hbm>>) target(%dma_start3A_262 : memref<64x128xf32, #tpu.memory_space<vmem>>) offsets(%dma_start3A_265 : memref<64xi32, #tpu.memory_space<vmem>>) semaphore(%dma_start3A_270 : memref<!tpu.dma_semaphore, #tpu.memory_space<semaphore_mem>>)
      %mul3A_271 = arith.constant 5 : i32
      %mul3A_272 = arith.muli %scan3A_197, %mul3A_271 : i32
      %add3A_273 = arith.constant 2 : i32
      %add3A_274 = arith.addi %mul3A_272, %add3A_273 : i32
      %dma_start3A_275 = arith.constant 4 : i32
      %dma_start3A_276 = arith.constant 4 : i32
      %dma_start3A_277 = arith.constant 0 : i32
      %dma_start3A_278 = arith.constant 0 : i32
      %dma_start3A_279 = tpu.memref_slice %arg6[%dma_start3A_275, %dma_start3A_277, %dma_start3A_278] : memref<10x64x128xf32, #tpu.memory_space<vmem>> -> memref<1x64x128xf32, #tpu.memory_space<vmem>>
      %dma_start3A_280 = tpu.memref_squeeze %dma_start3A_279 : memref<1x64x128xf32, #tpu.memory_space<vmem>> -> memref<64x128xf32, #tpu.memory_space<vmem>>
      %dma_start3A_281 = arith.constant 0 : i32
      %dma_start3A_282 = tpu.memref_slice %arg5[%add3A_274, %dma_start3A_281] : memref<50x128xi32, #tpu.memory_space<vmem>> -> memref<1x64xi32, #tpu.memory_space<vmem>>
      %dma_start3A_283 = tpu.memref_squeeze %dma_start3A_282 : memref<1x64xi32, #tpu.memory_space<vmem>> -> memref<64xi32, #tpu.memory_space<vmem>>
      %dma_start3A_284 = arith.constant 0 : i32
      %dma_start3A_285 = arith.constant 0 : i32
      %dma_start3A_286 = tpu.memref_slice %arg3[%dma_start3A_284, %dma_start3A_285] : memref<100000x128xf32, #tpu.memory_space<hbm>> -> memref<100000x128xf32, #tpu.memory_space<hbm>>
      %dma_start3A_287 = tpu.memref_slice %arg7[%dma_start3A_276] : memref<10x!tpu.dma_semaphore, #tpu.memory_space<semaphore_mem>> -> memref<1x!tpu.dma_semaphore, #tpu.memory_space<semaphore_mem>>
      %dma_start3A_288 = tpu.memref_squeeze %dma_start3A_287 : memref<1x!tpu.dma_semaphore, #tpu.memory_space<semaphore_mem>> -> memref<!tpu.dma_semaphore, #tpu.memory_space<semaphore_mem>>
      tpu.enqueue_indirect_dma source(%dma_start3A_286 : memref<100000x128xf32, #tpu.memory_space<hbm>>) target(%dma_start3A_280 : memref<64x128xf32, #tpu.memory_space<vmem>>) offsets(%dma_start3A_283 : memref<64xi32, #tpu.memory_space<vmem>>) semaphore(%dma_start3A_288 : memref<!tpu.dma_semaphore, #tpu.memory_space<semaphore_mem>>)
      %mul3A_289 = arith.constant 5 : i32
      %mul3A_290 = arith.muli %scan3A_197, %mul3A_289 : i32
      %add3A_291 = arith.constant 2 : i32
      %add3A_292 = arith.addi %mul3A_290, %add3A_291 : i32
      %dma_start3A_293 = arith.constant 5 : i32
      %dma_start3A_294 = arith.constant 5 : i32
      %dma_start3A_295 = arith.constant 0 : i32
      %dma_start3A_296 = arith.constant 0 : i32
      %dma_start3A_297 = tpu.memref_slice %arg6[%dma_start3A_293, %dma_start3A_295, %dma_start3A_296] : memref<10x64x128xf32, #tpu.memory_space<vmem>> -> memref<1x64x128xf32, #tpu.memory_space<vmem>>
      %dma_start3A_298 = tpu.memref_squeeze %dma_start3A_297 : memref<1x64x128xf32, #tpu.memory_space<vmem>> -> memref<64x128xf32, #tpu.memory_space<vmem>>
      %dma_start3A_299 = arith.constant 64 : i32
      %dma_start3A_300 = tpu.memref_slice %arg5[%add3A_292, %dma_start3A_299] : memref<50x128xi32, #tpu.memory_space<vmem>> -> memref<1x64xi32, #tpu.memory_space<vmem>>
      %dma_start3A_301 = tpu.memref_squeeze %dma_start3A_300 : memref<1x64xi32, #tpu.memory_space<vmem>> -> memref<64xi32, #tpu.memory_space<vmem>>
      %dma_start3A_302 = arith.constant 0 : i32
      %dma_start3A_303 = arith.constant 0 : i32
      %dma_start3A_304 = tpu.memref_slice %arg3[%dma_start3A_302, %dma_start3A_303] : memref<100000x128xf32, #tpu.memory_space<hbm>> -> memref<100000x128xf32, #tpu.memory_space<hbm>>
      %dma_start3A_305 = tpu.memref_slice %arg7[%dma_start3A_294] : memref<10x!tpu.dma_semaphore, #tpu.memory_space<semaphore_mem>> -> memref<1x!tpu.dma_semaphore, #tpu.memory_space<semaphore_mem>>
      %dma_start3A_306 = tpu.memref_squeeze %dma_start3A_305 : memref<1x!tpu.dma_semaphore, #tpu.memory_space<semaphore_mem>> -> memref<!tpu.dma_semaphore, #tpu.memory_space<semaphore_mem>>
      tpu.enqueue_indirect_dma source(%dma_start3A_304 : memref<100000x128xf32, #tpu.memory_space<hbm>>) target(%dma_start3A_298 : memref<64x128xf32, #tpu.memory_space<vmem>>) offsets(%dma_start3A_301 : memref<64xi32, #tpu.memory_space<vmem>>) semaphore(%dma_start3A_306 : memref<!tpu.dma_semaphore, #tpu.memory_space<semaphore_mem>>)
      %mul3A_307 = arith.constant 5 : i32
      %mul3A_308 = arith.muli %scan3A_197, %mul3A_307 : i32
      %add3A_309 = arith.constant 3 : i32
      %add3A_310 = arith.addi %mul3A_308, %add3A_309 : i32
      %dma_start3A_311 = arith.constant 6 : i32
      %dma_start3A_312 = arith.constant 6 : i32
      %dma_start3A_313 = arith.constant 0 : i32
      %dma_start3A_314 = arith.constant 0 : i32
      %dma_start3A_315 = tpu.memref_slice %arg6[%dma_start3A_311, %dma_start3A_313, %dma_start3A_314] : memref<10x64x128xf32, #tpu.memory_space<vmem>> -> memref<1x64x128xf32, #tpu.memory_space<vmem>>
      %dma_start3A_316 = tpu.memref_squeeze %dma_start3A_315 : memref<1x64x128xf32, #tpu.memory_space<vmem>> -> memref<64x128xf32, #tpu.memory_space<vmem>>
      %dma_start3A_317 = arith.constant 0 : i32
      %dma_start3A_318 = tpu.memref_slice %arg5[%add3A_310, %dma_start3A_317] : memref<50x128xi32, #tpu.memory_space<vmem>> -> memref<1x64xi32, #tpu.memory_space<vmem>>
      %dma_start3A_319 = tpu.memref_squeeze %dma_start3A_318 : memref<1x64xi32, #tpu.memory_space<vmem>> -> memref<64xi32, #tpu.memory_space<vmem>>
      %dma_start3A_320 = arith.constant 0 : i32
      %dma_start3A_321 = arith.constant 0 : i32
      %dma_start3A_322 = tpu.memref_slice %arg3[%dma_start3A_320, %dma_start3A_321] : memref<100000x128xf32, #tpu.memory_space<hbm>> -> memref<100000x128xf32, #tpu.memory_space<hbm>>
      %dma_start3A_323 = tpu.memref_slice %arg7[%dma_start3A_312] : memref<10x!tpu.dma_semaphore, #tpu.memory_space<semaphore_mem>> -> memref<1x!tpu.dma_semaphore, #tpu.memory_space<semaphore_mem>>
      %dma_start3A_324 = tpu.memref_squeeze %dma_start3A_323 : memref<1x!tpu.dma_semaphore, #tpu.memory_space<semaphore_mem>> -> memref<!tpu.dma_semaphore, #tpu.memory_space<semaphore_mem>>
      tpu.enqueue_indirect_dma source(%dma_start3A_322 : memref<100000x128xf32, #tpu.memory_space<hbm>>) target(%dma_start3A_316 : memref<64x128xf32, #tpu.memory_space<vmem>>) offsets(%dma_start3A_319 : memref<64xi32, #tpu.memory_space<vmem>>) semaphore(%dma_start3A_324 : memref<!tpu.dma_semaphore, #tpu.memory_space<semaphore_mem>>)
      %mul3A_325 = arith.constant 5 : i32
      %mul3A_326 = arith.muli %scan3A_197, %mul3A_325 : i32
      %add3A_327 = arith.constant 3 : i32
      %add3A_328 = arith.addi %mul3A_326, %add3A_327 : i32
      %dma_start3A_329 = arith.constant 7 : i32
      %dma_start3A_330 = arith.constant 7 : i32
      %dma_start3A_331 = arith.constant 0 : i32
      %dma_start3A_332 = arith.constant 0 : i32
      %dma_start3A_333 = tpu.memref_slice %arg6[%dma_start3A_329, %dma_start3A_331, %dma_start3A_332] : memref<10x64x128xf32, #tpu.memory_space<vmem>> -> memref<1x64x128xf32, #tpu.memory_space<vmem>>
      %dma_start3A_334 = tpu.memref_squeeze %dma_start3A_333 : memref<1x64x128xf32, #tpu.memory_space<vmem>> -> memref<64x128xf32, #tpu.memory_space<vmem>>
      %dma_start3A_335 = arith.constant 64 : i32
      %dma_start3A_336 = tpu.memref_slice %arg5[%add3A_328, %dma_start3A_335] : memref<50x128xi32, #tpu.memory_space<vmem>> -> memref<1x64xi32, #tpu.memory_space<vmem>>
      %dma_start3A_337 = tpu.memref_squeeze %dma_start3A_336 : memref<1x64xi32, #tpu.memory_space<vmem>> -> memref<64xi32, #tpu.memory_space<vmem>>
      %dma_start3A_338 = arith.constant 0 : i32
      %dma_start3A_339 = arith.constant 0 : i32
      %dma_start3A_340 = tpu.memref_slice %arg3[%dma_start3A_338, %dma_start3A_339] : memref<100000x128xf32, #tpu.memory_space<hbm>> -> memref<100000x128xf32, #tpu.memory_space<hbm>>
      %dma_start3A_341 = tpu.memref_slice %arg7[%dma_start3A_330] : memref<10x!tpu.dma_semaphore, #tpu.memory_space<semaphore_mem>> -> memref<1x!tpu.dma_semaphore, #tpu.memory_space<semaphore_mem>>
      %dma_start3A_342 = tpu.memref_squeeze %dma_start3A_341 : memref<1x!tpu.dma_semaphore, #tpu.memory_space<semaphore_mem>> -> memref<!tpu.dma_semaphore, #tpu.memory_space<semaphore_mem>>
      tpu.enqueue_indirect_dma source(%dma_start3A_340 : memref<100000x128xf32, #tpu.memory_space<hbm>>) target(%dma_start3A_334 : memref<64x128xf32, #tpu.memory_space<vmem>>) offsets(%dma_start3A_337 : memref<64xi32, #tpu.memory_space<vmem>>) semaphore(%dma_start3A_342 : memref<!tpu.dma_semaphore, #tpu.memory_space<semaphore_mem>>)
      %mul3A_343 = arith.constant 5 : i32
      %mul3A_344 = arith.muli %scan3A_197, %mul3A_343 : i32
      %add3A_345 = arith.constant 4 : i32
      %add3A_346 = arith.addi %mul3A_344, %add3A_345 : i32
      %dma_start3A_347 = arith.constant 8 : i32
      %dma_start3A_348 = arith.constant 8 : i32
      %dma_start3A_349 = arith.constant 0 : i32
      %dma_start3A_350 = arith.constant 0 : i32
      %dma_start3A_351 = tpu.memref_slice %arg6[%dma_start3A_347, %dma_start3A_349, %dma_start3A_350] : memref<10x64x128xf32, #tpu.memory_space<vmem>> -> memref<1x64x128xf32, #tpu.memory_space<vmem>>
      %dma_start3A_352 = tpu.memref_squeeze %dma_start3A_351 : memref<1x64x128xf32, #tpu.memory_space<vmem>> -> memref<64x128xf32, #tpu.memory_space<vmem>>
      %dma_start3A_353 = arith.constant 0 : i32
      %dma_start3A_354 = tpu.memref_slice %arg5[%add3A_346, %dma_start3A_353] : memref<50x128xi32, #tpu.memory_space<vmem>> -> memref<1x64xi32, #tpu.memory_space<vmem>>
      %dma_start3A_355 = tpu.memref_squeeze %dma_start3A_354 : memref<1x64xi32, #tpu.memory_space<vmem>> -> memref<64xi32, #tpu.memory_space<vmem>>
      %dma_start3A_356 = arith.constant 0 : i32
      %dma_start3A_357 = arith.constant 0 : i32
      %dma_start3A_358 = tpu.memref_slice %arg3[%dma_start3A_356, %dma_start3A_357] : memref<100000x128xf32, #tpu.memory_space<hbm>> -> memref<100000x128xf32, #tpu.memory_space<hbm>>
      %dma_start3A_359 = tpu.memref_slice %arg7[%dma_start3A_348] : memref<10x!tpu.dma_semaphore, #tpu.memory_space<semaphore_mem>> -> memref<1x!tpu.dma_semaphore, #tpu.memory_space<semaphore_mem>>
      %dma_start3A_360 = tpu.memref_squeeze %dma_start3A_359 : memref<1x!tpu.dma_semaphore, #tpu.memory_space<semaphore_mem>> -> memref<!tpu.dma_semaphore, #tpu.memory_space<semaphore_mem>>
      tpu.enqueue_indirect_dma source(%dma_start3A_358 : memref<100000x128xf32, #tpu.memory_space<hbm>>) target(%dma_start3A_352 : memref<64x128xf32, #tpu.memory_space<vmem>>) offsets(%dma_start3A_355 : memref<64xi32, #tpu.memory_space<vmem>>) semaphore(%dma_start3A_360 : memref<!tpu.dma_semaphore, #tpu.memory_space<semaphore_mem>>)
      %mul3A_361 = arith.constant 5 : i32
      %mul3A_362 = arith.muli %scan3A_197, %mul3A_361 : i32
      %add3A_363 = arith.constant 4 : i32
      %add3A_364 = arith.addi %mul3A_362, %add3A_363 : i32
      %dma_start3A_365 = arith.constant 9 : i32
      %dma_start3A_366 = arith.constant 9 : i32
      %dma_start3A_367 = arith.constant 0 : i32
      %dma_start3A_368 = arith.constant 0 : i32
      %dma_start3A_369 = tpu.memref_slice %arg6[%dma_start3A_365, %dma_start3A_367, %dma_start3A_368] : memref<10x64x128xf32, #tpu.memory_space<vmem>> -> memref<1x64x128xf32, #tpu.memory_space<vmem>>
      %dma_start3A_370 = tpu.memref_squeeze %dma_start3A_369 : memref<1x64x128xf32, #tpu.memory_space<vmem>> -> memref<64x128xf32, #tpu.memory_space<vmem>>
      %dma_start3A_371 = arith.constant 64 : i32
      %dma_start3A_372 = tpu.memref_slice %arg5[%add3A_364, %dma_start3A_371] : memref<50x128xi32, #tpu.memory_space<vmem>> -> memref<1x64xi32, #tpu.memory_space<vmem>>
      %dma_start3A_373 = tpu.memref_squeeze %dma_start3A_372 : memref<1x64xi32, #tpu.memory_space<vmem>> -> memref<64xi32, #tpu.memory_space<vmem>>
      %dma_start3A_374 = arith.constant 0 : i32
      %dma_start3A_375 = arith.constant 0 : i32
      %dma_start3A_376 = tpu.memref_slice %arg3[%dma_start3A_374, %dma_start3A_375] : memref<100000x128xf32, #tpu.memory_space<hbm>> -> memref<100000x128xf32, #tpu.memory_space<hbm>>
      %dma_start3A_377 = tpu.memref_slice %arg7[%dma_start3A_366] : memref<10x!tpu.dma_semaphore, #tpu.memory_space<semaphore_mem>> -> memref<1x!tpu.dma_semaphore, #tpu.memory_space<semaphore_mem>>
      %dma_start3A_378 = tpu.memref_squeeze %dma_start3A_377 : memref<1x!tpu.dma_semaphore, #tpu.memory_space<semaphore_mem>> -> memref<!tpu.dma_semaphore, #tpu.memory_space<semaphore_mem>>
      tpu.enqueue_indirect_dma source(%dma_start3A_376 : memref<100000x128xf32, #tpu.memory_space<hbm>>) target(%dma_start3A_370 : memref<64x128xf32, #tpu.memory_space<vmem>>) offsets(%dma_start3A_373 : memref<64xi32, #tpu.memory_space<vmem>>) semaphore(%dma_start3A_378 : memref<!tpu.dma_semaphore, #tpu.memory_space<semaphore_mem>>)
      %mul3A_379 = arith.constant 5 : i32
      %mul3A_380 = arith.muli %scan3A_197, %mul3A_379 : i32
      %add3A_381 = arith.constant 0 : i32
      %add3A_382 = arith.addi %mul3A_380, %add3A_381 : i32
      %dma_wait3A_383 = arith.constant 0 : i32
      %dma_wait3A_384 = arith.constant 0 : i32
      %dma_wait3A_385 = arith.constant 0 : i32
      %dma_wait3A_386 = arith.constant 0 : i32
      %dma_wait3A_387 = arith.constant 0 : i32
      %dma_wait3A_388 = tpu.memref_slice %arg6[%dma_wait3A_384, %dma_wait3A_386, %dma_wait3A_387] : memref<10x64x128xf32, #tpu.memory_space<vmem>> -> memref<1x64x128xf32, #tpu.memory_space<vmem>>
      %dma_wait3A_389 = tpu.memref_squeeze %dma_wait3A_388 : memref<1x64x128xf32, #tpu.memory_space<vmem>> -> memref<64x128xf32, #tpu.memory_space<vmem>>
      %dma_wait3A_390 = arith.constant 0 : i32
      %dma_wait3A_391 = tpu.memref_slice %arg5[%dma_wait3A_383, %dma_wait3A_390] : memref<50x128xi32, #tpu.memory_space<vmem>> -> memref<1x64xi32, #tpu.memory_space<vmem>>
      %dma_wait3A_392 = tpu.memref_squeeze %dma_wait3A_391 : memref<1x64xi32, #tpu.memory_space<vmem>> -> memref<64xi32, #tpu.memory_space<vmem>>
      %dma_wait3A_393 = arith.constant 0 : i32
      %dma_wait3A_394 = arith.constant 0 : i32
      %dma_wait3A_395 = tpu.memref_slice %arg3[%dma_wait3A_393, %dma_wait3A_394] : memref<100000x128xf32, #tpu.memory_space<hbm>> -> memref<100000x128xf32, #tpu.memory_space<hbm>>
      %dma_wait3A_396 = tpu.memref_slice %arg7[%dma_wait3A_385] : memref<10x!tpu.dma_semaphore, #tpu.memory_space<semaphore_mem>> -> memref<1x!tpu.dma_semaphore, #tpu.memory_space<semaphore_mem>>
      %dma_wait3A_397 = tpu.memref_squeeze %dma_wait3A_396 : memref<1x!tpu.dma_semaphore, #tpu.memory_space<semaphore_mem>> -> memref<!tpu.dma_semaphore, #tpu.memory_space<semaphore_mem>>
      tpu.wait_indirect_dma semaphore(%dma_wait3A_397 : memref<!tpu.dma_semaphore, #tpu.memory_space<semaphore_mem>>) src(%dma_wait3A_395 : memref<100000x128xf32, #tpu.memory_space<hbm>>) dst(%dma_wait3A_389 : memref<64x128xf32, #tpu.memory_space<vmem>>)
      %add3A_398 = arith.constant 0 : i32
      %add3A_399 = arith.addi %mul3A_2, %add3A_398 : i32
      %dma_start3A_400 = arith.constant 0 : i32
      %dma_start3A_401 = arith.constant 0 : i32
      %dma_start3A_402 = arith.constant 0 : i32
      %dma_start3A_403 = arith.constant 0 : i32
      %dma_start3A_404 = tpu.memref_slice %arg6[%dma_start3A_400, %dma_start3A_402, %dma_start3A_403] : memref<10x64x128xf32, #tpu.memory_space<vmem>> -> memref<1x64x128xf32, #tpu.memory_space<vmem>>
      %dma_start3A_405 = tpu.memref_squeeze %dma_start3A_404 : memref<1x64x128xf32, #tpu.memory_space<vmem>> -> memref<64x128xf32, #tpu.memory_space<vmem>>
      %dma_start3A_406 = arith.constant 0 : i32
      %dma_start3A_407 = tpu.memref_slice %arg4[%add3A_382, %add3A_399, %dma_start3A_406] : memref<50x4096x128xf32, #tpu.memory_space<hbm>> -> memref<1x64x128xf32, #tpu.memory_space<hbm>>
      %dma_start3A_408 = tpu.memref_squeeze %dma_start3A_407 : memref<1x64x128xf32, #tpu.memory_space<hbm>> -> memref<64x128xf32, #tpu.memory_space<hbm>>
      %dma_start3A_409 = tpu.memref_slice %arg8[%dma_start3A_401] : memref<10x!tpu.dma_semaphore, #tpu.memory_space<semaphore_mem>> -> memref<1x!tpu.dma_semaphore, #tpu.memory_space<semaphore_mem>>
      %dma_start3A_410 = tpu.memref_squeeze %dma_start3A_409 : memref<1x!tpu.dma_semaphore, #tpu.memory_space<semaphore_mem>> -> memref<!tpu.dma_semaphore, #tpu.memory_space<semaphore_mem>>
      %dma_start3A_411 = arith.constant 0 : i32
      %dma_start3A_412 = tpu.memref_slice %arg4[%add3A_382, %add3A_399, %dma_start3A_411] : memref<50x4096x128xf32, #tpu.memory_space<hbm>> -> memref<1x64x128xf32, #tpu.memory_space<hbm>>
      %dma_start3A_413 = tpu.memref_squeeze %dma_start3A_412 : memref<1x64x128xf32, #tpu.memory_space<hbm>> -> memref<64x128xf32, #tpu.memory_space<hbm>>
      %dma_start3A_414 = arith.constant 0 : i32
      %dma_start3A_415 = arith.constant 0 : i32
      %dma_start3A_416 = tpu.memref_slice %arg6[%dma_start3A_400, %dma_start3A_414, %dma_start3A_415] : memref<10x64x128xf32, #tpu.memory_space<vmem>> -> memref<1x64x128xf32, #tpu.memory_space<vmem>>
      %dma_start3A_417 = tpu.memref_squeeze %dma_start3A_416 : memref<1x64x128xf32, #tpu.memory_space<vmem>> -> memref<64x128xf32, #tpu.memory_space<vmem>>
      tpu.enqueue_dma source(%dma_start3A_417 : memref<64x128xf32, #tpu.memory_space<vmem>>) target(%dma_start3A_413 : memref<64x128xf32, #tpu.memory_space<hbm>>) target_semaphore(%dma_start3A_410 : memref<!tpu.dma_semaphore, #tpu.memory_space<semaphore_mem>>)
      %mul3A_418 = arith.constant 5 : i32
      %mul3A_419 = arith.muli %scan3A_197, %mul3A_418 : i32
      %add3A_420 = arith.constant 0 : i32
      %add3A_421 = arith.addi %mul3A_419, %add3A_420 : i32
      %dma_wait3A_422 = arith.constant 0 : i32
      %dma_wait3A_423 = arith.constant 1 : i32
      %dma_wait3A_424 = arith.constant 1 : i32
      %dma_wait3A_425 = arith.constant 0 : i32
      %dma_wait3A_426 = arith.constant 0 : i32
      %dma_wait3A_427 = tpu.memref_slice %arg6[%dma_wait3A_423, %dma_wait3A_425, %dma_wait3A_426] : memref<10x64x128xf32, #tpu.memory_space<vmem>> -> memref<1x64x128xf32, #tpu.memory_space<vmem>>
      %dma_wait3A_428 = tpu.memref_squeeze %dma_wait3A_427 : memref<1x64x128xf32, #tpu.memory_space<vmem>> -> memref<64x128xf32, #tpu.memory_space<vmem>>
      %dma_wait3A_429 = arith.constant 0 : i32
      %dma_wait3A_430 = tpu.memref_slice %arg5[%dma_wait3A_422, %dma_wait3A_429] : memref<50x128xi32, #tpu.memory_space<vmem>> -> memref<1x64xi32, #tpu.memory_space<vmem>>
      %dma_wait3A_431 = tpu.memref_squeeze %dma_wait3A_430 : memref<1x64xi32, #tpu.memory_space<vmem>> -> memref<64xi32, #tpu.memory_space<vmem>>
      %dma_wait3A_432 = arith.constant 0 : i32
      %dma_wait3A_433 = arith.constant 0 : i32
      %dma_wait3A_434 = tpu.memref_slice %arg3[%dma_wait3A_432, %dma_wait3A_433] : memref<100000x128xf32, #tpu.memory_space<hbm>> -> memref<100000x128xf32, #tpu.memory_space<hbm>>
      %dma_wait3A_435 = tpu.memref_slice %arg7[%dma_wait3A_424] : memref<10x!tpu.dma_semaphore, #tpu.memory_space<semaphore_mem>> -> memref<1x!tpu.dma_semaphore, #tpu.memory_space<semaphore_mem>>
      %dma_wait3A_436 = tpu.memref_squeeze %dma_wait3A_435 : memref<1x!tpu.dma_semaphore, #tpu.memory_space<semaphore_mem>> -> memref<!tpu.dma_semaphore, #tpu.memory_space<semaphore_mem>>
      tpu.wait_indirect_dma semaphore(%dma_wait3A_436 : memref<!tpu.dma_semaphore, #tpu.memory_space<semaphore_mem>>) src(%dma_wait3A_434 : memref<100000x128xf32, #tpu.memory_space<hbm>>) dst(%dma_wait3A_428 : memref<64x128xf32, #tpu.memory_space<vmem>>)
      %add3A_437 = arith.constant 64 : i32
      %add3A_438 = arith.addi %mul3A_2, %add3A_437 : i32
      %dma_start3A_439 = arith.constant 1 : i32
      %dma_start3A_440 = arith.constant 1 : i32
      %dma_start3A_441 = arith.constant 0 : i32
      %dma_start3A_442 = arith.constant 0 : i32
      %dma_start3A_443 = tpu.memref_slice %arg6[%dma_start3A_439, %dma_start3A_441, %dma_start3A_442] : memref<10x64x128xf32, #tpu.memory_space<vmem>> -> memref<1x64x128xf32, #tpu.memory_space<vmem>>
      %dma_start3A_444 = tpu.memref_squeeze %dma_start3A_443 : memref<1x64x128xf32, #tpu.memory_space<vmem>> -> memref<64x128xf32, #tpu.memory_space<vmem>>
      %dma_start3A_445 = arith.constant 0 : i32
      %dma_start3A_446 = tpu.memref_slice %arg4[%add3A_421, %add3A_438, %dma_start3A_445] : memref<50x4096x128xf32, #tpu.memory_space<hbm>> -> memref<1x64x128xf32, #tpu.memory_space<hbm>>
      %dma_start3A_447 = tpu.memref_squeeze %dma_start3A_446 : memref<1x64x128xf32, #tpu.memory_space<hbm>> -> memref<64x128xf32, #tpu.memory_space<hbm>>
      %dma_start3A_448 = tpu.memref_slice %arg8[%dma_start3A_440] : memref<10x!tpu.dma_semaphore, #tpu.memory_space<semaphore_mem>> -> memref<1x!tpu.dma_semaphore, #tpu.memory_space<semaphore_mem>>
      %dma_start3A_449 = tpu.memref_squeeze %dma_start3A_448 : memref<1x!tpu.dma_semaphore, #tpu.memory_space<semaphore_mem>> -> memref<!tpu.dma_semaphore, #tpu.memory_space<semaphore_mem>>
      %dma_start3A_450 = arith.constant 0 : i32
      %dma_start3A_451 = tpu.memref_slice %arg4[%add3A_421, %add3A_438, %dma_start3A_450] : memref<50x4096x128xf32, #tpu.memory_space<hbm>> -> memref<1x64x128xf32, #tpu.memory_space<hbm>>
      %dma_start3A_452 = tpu.memref_squeeze %dma_start3A_451 : memref<1x64x128xf32, #tpu.memory_space<hbm>> -> memref<64x128xf32, #tpu.memory_space<hbm>>
      %dma_start3A_453 = arith.constant 0 : i32
      %dma_start3A_454 = arith.constant 0 : i32
      %dma_start3A_455 = tpu.memref_slice %arg6[%dma_start3A_439, %dma_start3A_453, %dma_start3A_454] : memref<10x64x128xf32, #tpu.memory_space<vmem>> -> memref<1x64x128xf32, #tpu.memory_space<vmem>>
      %dma_start3A_456 = tpu.memref_squeeze %dma_start3A_455 : memref<1x64x128xf32, #tpu.memory_space<vmem>> -> memref<64x128xf32, #tpu.memory_space<vmem>>
      tpu.enqueue_dma source(%dma_start3A_456 : memref<64x128xf32, #tpu.memory_space<vmem>>) target(%dma_start3A_452 : memref<64x128xf32, #tpu.memory_space<hbm>>) target_semaphore(%dma_start3A_449 : memref<!tpu.dma_semaphore, #tpu.memory_space<semaphore_mem>>)
      %mul3A_457 = arith.constant 5 : i32
      %mul3A_458 = arith.muli %scan3A_197, %mul3A_457 : i32
      %add3A_459 = arith.constant 1 : i32
      %add3A_460 = arith.addi %mul3A_458, %add3A_459 : i32
      %dma_wait3A_461 = arith.constant 0 : i32
      %dma_wait3A_462 = arith.constant 2 : i32
      %dma_wait3A_463 = arith.constant 2 : i32
      %dma_wait3A_464 = arith.constant 0 : i32
      %dma_wait3A_465 = arith.constant 0 : i32
      %dma_wait3A_466 = tpu.memref_slice %arg6[%dma_wait3A_462, %dma_wait3A_464, %dma_wait3A_465] : memref<10x64x128xf32, #tpu.memory_space<vmem>> -> memref<1x64x128xf32, #tpu.memory_space<vmem>>
      %dma_wait3A_467 = tpu.memref_squeeze %dma_wait3A_466 : memref<1x64x128xf32, #tpu.memory_space<vmem>> -> memref<64x128xf32, #tpu.memory_space<vmem>>
      %dma_wait3A_468 = arith.constant 0 : i32
      %dma_wait3A_469 = tpu.memref_slice %arg5[%dma_wait3A_461, %dma_wait3A_468] : memref<50x128xi32, #tpu.memory_space<vmem>> -> memref<1x64xi32, #tpu.memory_space<vmem>>
      %dma_wait3A_470 = tpu.memref_squeeze %dma_wait3A_469 : memref<1x64xi32, #tpu.memory_space<vmem>> -> memref<64xi32, #tpu.memory_space<vmem>>
      %dma_wait3A_471 = arith.constant 0 : i32
      %dma_wait3A_472 = arith.constant 0 : i32
      %dma_wait3A_473 = tpu.memref_slice %arg3[%dma_wait3A_471, %dma_wait3A_472] : memref<100000x128xf32, #tpu.memory_space<hbm>> -> memref<100000x128xf32, #tpu.memory_space<hbm>>
      %dma_wait3A_474 = tpu.memref_slice %arg7[%dma_wait3A_463] : memref<10x!tpu.dma_semaphore, #tpu.memory_space<semaphore_mem>> -> memref<1x!tpu.dma_semaphore, #tpu.memory_space<semaphore_mem>>
      %dma_wait3A_475 = tpu.memref_squeeze %dma_wait3A_474 : memref<1x!tpu.dma_semaphore, #tpu.memory_space<semaphore_mem>> -> memref<!tpu.dma_semaphore, #tpu.memory_space<semaphore_mem>>
      tpu.wait_indirect_dma semaphore(%dma_wait3A_475 : memref<!tpu.dma_semaphore, #tpu.memory_space<semaphore_mem>>) src(%dma_wait3A_473 : memref<100000x128xf32, #tpu.memory_space<hbm>>) dst(%dma_wait3A_467 : memref<64x128xf32, #tpu.memory_space<vmem>>)
      %add3A_476 = arith.constant 0 : i32
      %add3A_477 = arith.addi %mul3A_2, %add3A_476 : i32
      %dma_start3A_478 = arith.constant 2 : i32
      %dma_start3A_479 = arith.constant 2 : i32
      %dma_start3A_480 = arith.constant 0 : i32
      %dma_start3A_481 = arith.constant 0 : i32
      %dma_start3A_482 = tpu.memref_slice %arg6[%dma_start3A_478, %dma_start3A_480, %dma_start3A_481] : memref<10x64x128xf32, #tpu.memory_space<vmem>> -> memref<1x64x128xf32, #tpu.memory_space<vmem>>
      %dma_start3A_483 = tpu.memref_squeeze %dma_start3A_482 : memref<1x64x128xf32, #tpu.memory_space<vmem>> -> memref<64x128xf32, #tpu.memory_space<vmem>>
      %dma_start3A_484 = arith.constant 0 : i32
      %dma_start3A_485 = tpu.memref_slice %arg4[%add3A_460, %add3A_477, %dma_start3A_484] : memref<50x4096x128xf32, #tpu.memory_space<hbm>> -> memref<1x64x128xf32, #tpu.memory_space<hbm>>
      %dma_start3A_486 = tpu.memref_squeeze %dma_start3A_485 : memref<1x64x128xf32, #tpu.memory_space<hbm>> -> memref<64x128xf32, #tpu.memory_space<hbm>>
      %dma_start3A_487 = tpu.memref_slice %arg8[%dma_start3A_479] : memref<10x!tpu.dma_semaphore, #tpu.memory_space<semaphore_mem>> -> memref<1x!tpu.dma_semaphore, #tpu.memory_space<semaphore_mem>>
      %dma_start3A_488 = tpu.memref_squeeze %dma_start3A_487 : memref<1x!tpu.dma_semaphore, #tpu.memory_space<semaphore_mem>> -> memref<!tpu.dma_semaphore, #tpu.memory_space<semaphore_mem>>
      %dma_start3A_489 = arith.constant 0 : i32
      %dma_start3A_490 = tpu.memref_slice %arg4[%add3A_460, %add3A_477, %dma_start3A_489] : memref<50x4096x128xf32, #tpu.memory_space<hbm>> -> memref<1x64x128xf32, #tpu.memory_space<hbm>>
      %dma_start3A_491 = tpu.memref_squeeze %dma_start3A_490 : memref<1x64x128xf32, #tpu.memory_space<hbm>> -> memref<64x128xf32, #tpu.memory_space<hbm>>
      %dma_start3A_492 = arith.constant 0 : i32
      %dma_start3A_493 = arith.constant 0 : i32
      %dma_start3A_494 = tpu.memref_slice %arg6[%dma_start3A_478, %dma_start3A_492, %dma_start3A_493] : memref<10x64x128xf32, #tpu.memory_space<vmem>> -> memref<1x64x128xf32, #tpu.memory_space<vmem>>
      %dma_start3A_495 = tpu.memref_squeeze %dma_start3A_494 : memref<1x64x128xf32, #tpu.memory_space<vmem>> -> memref<64x128xf32, #tpu.memory_space<vmem>>
      tpu.enqueue_dma source(%dma_start3A_495 : memref<64x128xf32, #tpu.memory_space<vmem>>) target(%dma_start3A_491 : memref<64x128xf32, #tpu.memory_space<hbm>>) target_semaphore(%dma_start3A_488 : memref<!tpu.dma_semaphore, #tpu.memory_space<semaphore_mem>>)
      %mul3A_496 = arith.constant 5 : i32
      %mul3A_497 = arith.muli %scan3A_197, %mul3A_496 : i32
      %add3A_498 = arith.constant 1 : i32
      %add3A_499 = arith.addi %mul3A_497, %add3A_498 : i32
      %dma_wait3A_500 = arith.constant 0 : i32
      %dma_wait3A_501 = arith.constant 3 : i32
      %dma_wait3A_502 = arith.constant 3 : i32
      %dma_wait3A_503 = arith.constant 0 : i32
      %dma_wait3A_504 = arith.constant 0 : i32
      %dma_wait3A_505 = tpu.memref_slice %arg6[%dma_wait3A_501, %dma_wait3A_503, %dma_wait3A_504] : memref<10x64x128xf32, #tpu.memory_space<vmem>> -> memref<1x64x128xf32, #tpu.memory_space<vmem>>
      %dma_wait3A_506 = tpu.memref_squeeze %dma_wait3A_505 : memref<1x64x128xf32, #tpu.memory_space<vmem>> -> memref<64x128xf32, #tpu.memory_space<vmem>>
      %dma_wait3A_507 = arith.constant 0 : i32
      %dma_wait3A_508 = tpu.memref_slice %arg5[%dma_wait3A_500, %dma_wait3A_507] : memref<50x128xi32, #tpu.memory_space<vmem>> -> memref<1x64xi32, #tpu.memory_space<vmem>>
      %dma_wait3A_509 = tpu.memref_squeeze %dma_wait3A_508 : memref<1x64xi32, #tpu.memory_space<vmem>> -> memref<64xi32, #tpu.memory_space<vmem>>
      %dma_wait3A_510 = arith.constant 0 : i32
      %dma_wait3A_511 = arith.constant 0 : i32
      %dma_wait3A_512 = tpu.memref_slice %arg3[%dma_wait3A_510, %dma_wait3A_511] : memref<100000x128xf32, #tpu.memory_space<hbm>> -> memref<100000x128xf32, #tpu.memory_space<hbm>>
      %dma_wait3A_513 = tpu.memref_slice %arg7[%dma_wait3A_502] : memref<10x!tpu.dma_semaphore, #tpu.memory_space<semaphore_mem>> -> memref<1x!tpu.dma_semaphore, #tpu.memory_space<semaphore_mem>>
      %dma_wait3A_514 = tpu.memref_squeeze %dma_wait3A_513 : memref<1x!tpu.dma_semaphore, #tpu.memory_space<semaphore_mem>> -> memref<!tpu.dma_semaphore, #tpu.memory_space<semaphore_mem>>
      tpu.wait_indirect_dma semaphore(%dma_wait3A_514 : memref<!tpu.dma_semaphore, #tpu.memory_space<semaphore_mem>>) src(%dma_wait3A_512 : memref<100000x128xf32, #tpu.memory_space<hbm>>) dst(%dma_wait3A_506 : memref<64x128xf32, #tpu.memory_space<vmem>>)
      %add3A_515 = arith.constant 64 : i32
      %add3A_516 = arith.addi %mul3A_2, %add3A_515 : i32
      %dma_start3A_517 = arith.constant 3 : i32
      %dma_start3A_518 = arith.constant 3 : i32
      %dma_start3A_519 = arith.constant 0 : i32
      %dma_start3A_520 = arith.constant 0 : i32
      %dma_start3A_521 = tpu.memref_slice %arg6[%dma_start3A_517, %dma_start3A_519, %dma_start3A_520] : memref<10x64x128xf32, #tpu.memory_space<vmem>> -> memref<1x64x128xf32, #tpu.memory_space<vmem>>
      %dma_start3A_522 = tpu.memref_squeeze %dma_start3A_521 : memref<1x64x128xf32, #tpu.memory_space<vmem>> -> memref<64x128xf32, #tpu.memory_space<vmem>>
      %dma_start3A_523 = arith.constant 0 : i32
      %dma_start3A_524 = tpu.memref_slice %arg4[%add3A_499, %add3A_516, %dma_start3A_523] : memref<50x4096x128xf32, #tpu.memory_space<hbm>> -> memref<1x64x128xf32, #tpu.memory_space<hbm>>
      %dma_start3A_525 = tpu.memref_squeeze %dma_start3A_524 : memref<1x64x128xf32, #tpu.memory_space<hbm>> -> memref<64x128xf32, #tpu.memory_space<hbm>>
      %dma_start3A_526 = tpu.memref_slice %arg8[%dma_start3A_518] : memref<10x!tpu.dma_semaphore, #tpu.memory_space<semaphore_mem>> -> memref<1x!tpu.dma_semaphore, #tpu.memory_space<semaphore_mem>>
      %dma_start3A_527 = tpu.memref_squeeze %dma_start3A_526 : memref<1x!tpu.dma_semaphore, #tpu.memory_space<semaphore_mem>> -> memref<!tpu.dma_semaphore, #tpu.memory_space<semaphore_mem>>
      %dma_start3A_528 = arith.constant 0 : i32
      %dma_start3A_529 = tpu.memref_slice %arg4[%add3A_499, %add3A_516, %dma_start3A_528] : memref<50x4096x128xf32, #tpu.memory_space<hbm>> -> memref<1x64x128xf32, #tpu.memory_space<hbm>>
      %dma_start3A_530 = tpu.memref_squeeze %dma_start3A_529 : memref<1x64x128xf32, #tpu.memory_space<hbm>> -> memref<64x128xf32, #tpu.memory_space<hbm>>
      %dma_start3A_531 = arith.constant 0 : i32
      %dma_start3A_532 = arith.constant 0 : i32
      %dma_start3A_533 = tpu.memref_slice %arg6[%dma_start3A_517, %dma_start3A_531, %dma_start3A_532] : memref<10x64x128xf32, #tpu.memory_space<vmem>> -> memref<1x64x128xf32, #tpu.memory_space<vmem>>
      %dma_start3A_534 = tpu.memref_squeeze %dma_start3A_533 : memref<1x64x128xf32, #tpu.memory_space<vmem>> -> memref<64x128xf32, #tpu.memory_space<vmem>>
      tpu.enqueue_dma source(%dma_start3A_534 : memref<64x128xf32, #tpu.memory_space<vmem>>) target(%dma_start3A_530 : memref<64x128xf32, #tpu.memory_space<hbm>>) target_semaphore(%dma_start3A_527 : memref<!tpu.dma_semaphore, #tpu.memory_space<semaphore_mem>>)
      %mul3A_535 = arith.constant 5 : i32
      %mul3A_536 = arith.muli %scan3A_197, %mul3A_535 : i32
      %add3A_537 = arith.constant 2 : i32
      %add3A_538 = arith.addi %mul3A_536, %add3A_537 : i32
      %dma_wait3A_539 = arith.constant 0 : i32
      %dma_wait3A_540 = arith.constant 4 : i32
      %dma_wait3A_541 = arith.constant 4 : i32
      %dma_wait3A_542 = arith.constant 0 : i32
      %dma_wait3A_543 = arith.constant 0 : i32
      %dma_wait3A_544 = tpu.memref_slice %arg6[%dma_wait3A_540, %dma_wait3A_542, %dma_wait3A_543] : memref<10x64x128xf32, #tpu.memory_space<vmem>> -> memref<1x64x128xf32, #tpu.memory_space<vmem>>
      %dma_wait3A_545 = tpu.memref_squeeze %dma_wait3A_544 : memref<1x64x128xf32, #tpu.memory_space<vmem>> -> memref<64x128xf32, #tpu.memory_space<vmem>>
      %dma_wait3A_546 = arith.constant 0 : i32
      %dma_wait3A_547 = tpu.memref_slice %arg5[%dma_wait3A_539, %dma_wait3A_546] : memref<50x128xi32, #tpu.memory_space<vmem>> -> memref<1x64xi32, #tpu.memory_space<vmem>>
      %dma_wait3A_548 = tpu.memref_squeeze %dma_wait3A_547 : memref<1x64xi32, #tpu.memory_space<vmem>> -> memref<64xi32, #tpu.memory_space<vmem>>
      %dma_wait3A_549 = arith.constant 0 : i32
      %dma_wait3A_550 = arith.constant 0 : i32
      %dma_wait3A_551 = tpu.memref_slice %arg3[%dma_wait3A_549, %dma_wait3A_550] : memref<100000x128xf32, #tpu.memory_space<hbm>> -> memref<100000x128xf32, #tpu.memory_space<hbm>>
      %dma_wait3A_552 = tpu.memref_slice %arg7[%dma_wait3A_541] : memref<10x!tpu.dma_semaphore, #tpu.memory_space<semaphore_mem>> -> memref<1x!tpu.dma_semaphore, #tpu.memory_space<semaphore_mem>>
      %dma_wait3A_553 = tpu.memref_squeeze %dma_wait3A_552 : memref<1x!tpu.dma_semaphore, #tpu.memory_space<semaphore_mem>> -> memref<!tpu.dma_semaphore, #tpu.memory_space<semaphore_mem>>
      tpu.wait_indirect_dma semaphore(%dma_wait3A_553 : memref<!tpu.dma_semaphore, #tpu.memory_space<semaphore_mem>>) src(%dma_wait3A_551 : memref<100000x128xf32, #tpu.memory_space<hbm>>) dst(%dma_wait3A_545 : memref<64x128xf32, #tpu.memory_space<vmem>>)
      %add3A_554 = arith.constant 0 : i32
      %add3A_555 = arith.addi %mul3A_2, %add3A_554 : i32
      %dma_start3A_556 = arith.constant 4 : i32
      %dma_start3A_557 = arith.constant 4 : i32
      %dma_start3A_558 = arith.constant 0 : i32
      %dma_start3A_559 = arith.constant 0 : i32
      %dma_start3A_560 = tpu.memref_slice %arg6[%dma_start3A_556, %dma_start3A_558, %dma_start3A_559] : memref<10x64x128xf32, #tpu.memory_space<vmem>> -> memref<1x64x128xf32, #tpu.memory_space<vmem>>
      %dma_start3A_561 = tpu.memref_squeeze %dma_start3A_560 : memref<1x64x128xf32, #tpu.memory_space<vmem>> -> memref<64x128xf32, #tpu.memory_space<vmem>>
      %dma_start3A_562 = arith.constant 0 : i32
      %dma_start3A_563 = tpu.memref_slice %arg4[%add3A_538, %add3A_555, %dma_start3A_562] : memref<50x4096x128xf32, #tpu.memory_space<hbm>> -> memref<1x64x128xf32, #tpu.memory_space<hbm>>
      %dma_start3A_564 = tpu.memref_squeeze %dma_start3A_563 : memref<1x64x128xf32, #tpu.memory_space<hbm>> -> memref<64x128xf32, #tpu.memory_space<hbm>>
      %dma_start3A_565 = tpu.memref_slice %arg8[%dma_start3A_557] : memref<10x!tpu.dma_semaphore, #tpu.memory_space<semaphore_mem>> -> memref<1x!tpu.dma_semaphore, #tpu.memory_space<semaphore_mem>>
      %dma_start3A_566 = tpu.memref_squeeze %dma_start3A_565 : memref<1x!tpu.dma_semaphore, #tpu.memory_space<semaphore_mem>> -> memref<!tpu.dma_semaphore, #tpu.memory_space<semaphore_mem>>
      %dma_start3A_567 = arith.constant 0 : i32
      %dma_start3A_568 = tpu.memref_slice %arg4[%add3A_538, %add3A_555, %dma_start3A_567] : memref<50x4096x128xf32, #tpu.memory_space<hbm>> -> memref<1x64x128xf32, #tpu.memory_space<hbm>>
      %dma_start3A_569 = tpu.memref_squeeze %dma_start3A_568 : memref<1x64x128xf32, #tpu.memory_space<hbm>> -> memref<64x128xf32, #tpu.memory_space<hbm>>
      %dma_start3A_570 = arith.constant 0 : i32
      %dma_start3A_571 = arith.constant 0 : i32
      %dma_start3A_572 = tpu.memref_slice %arg6[%dma_start3A_556, %dma_start3A_570, %dma_start3A_571] : memref<10x64x128xf32, #tpu.memory_space<vmem>> -> memref<1x64x128xf32, #tpu.memory_space<vmem>>
      %dma_start3A_573 = tpu.memref_squeeze %dma_start3A_572 : memref<1x64x128xf32, #tpu.memory_space<vmem>> -> memref<64x128xf32, #tpu.memory_space<vmem>>
      tpu.enqueue_dma source(%dma_start3A_573 : memref<64x128xf32, #tpu.memory_space<vmem>>) target(%dma_start3A_569 : memref<64x128xf32, #tpu.memory_space<hbm>>) target_semaphore(%dma_start3A_566 : memref<!tpu.dma_semaphore, #tpu.memory_space<semaphore_mem>>)
      %mul3A_574 = arith.constant 5 : i32
      %mul3A_575 = arith.muli %scan3A_197, %mul3A_574 : i32
      %add3A_576 = arith.constant 2 : i32
      %add3A_577 = arith.addi %mul3A_575, %add3A_576 : i32
      %dma_wait3A_578 = arith.constant 0 : i32
      %dma_wait3A_579 = arith.constant 5 : i32
      %dma_wait3A_580 = arith.constant 5 : i32
      %dma_wait3A_581 = arith.constant 0 : i32
      %dma_wait3A_582 = arith.constant 0 : i32
      %dma_wait3A_583 = tpu.memref_slice %arg6[%dma_wait3A_579, %dma_wait3A_581, %dma_wait3A_582] : memref<10x64x128xf32, #tpu.memory_space<vmem>> -> memref<1x64x128xf32, #tpu.memory_space<vmem>>
      %dma_wait3A_584 = tpu.memref_squeeze %dma_wait3A_583 : memref<1x64x128xf32, #tpu.memory_space<vmem>> -> memref<64x128xf32, #tpu.memory_space<vmem>>
      %dma_wait3A_585 = arith.constant 0 : i32
      %dma_wait3A_586 = tpu.memref_slice %arg5[%dma_wait3A_578, %dma_wait3A_585] : memref<50x128xi32, #tpu.memory_space<vmem>> -> memref<1x64xi32, #tpu.memory_space<vmem>>
      %dma_wait3A_587 = tpu.memref_squeeze %dma_wait3A_586 : memref<1x64xi32, #tpu.memory_space<vmem>> -> memref<64xi32, #tpu.memory_space<vmem>>
      %dma_wait3A_588 = arith.constant 0 : i32
      %dma_wait3A_589 = arith.constant 0 : i32
      %dma_wait3A_590 = tpu.memref_slice %arg3[%dma_wait3A_588, %dma_wait3A_589] : memref<100000x128xf32, #tpu.memory_space<hbm>> -> memref<100000x128xf32, #tpu.memory_space<hbm>>
      %dma_wait3A_591 = tpu.memref_slice %arg7[%dma_wait3A_580] : memref<10x!tpu.dma_semaphore, #tpu.memory_space<semaphore_mem>> -> memref<1x!tpu.dma_semaphore, #tpu.memory_space<semaphore_mem>>
      %dma_wait3A_592 = tpu.memref_squeeze %dma_wait3A_591 : memref<1x!tpu.dma_semaphore, #tpu.memory_space<semaphore_mem>> -> memref<!tpu.dma_semaphore, #tpu.memory_space<semaphore_mem>>
      tpu.wait_indirect_dma semaphore(%dma_wait3A_592 : memref<!tpu.dma_semaphore, #tpu.memory_space<semaphore_mem>>) src(%dma_wait3A_590 : memref<100000x128xf32, #tpu.memory_space<hbm>>) dst(%dma_wait3A_584 : memref<64x128xf32, #tpu.memory_space<vmem>>)
      %add3A_593 = arith.constant 64 : i32
      %add3A_594 = arith.addi %mul3A_2, %add3A_593 : i32
      %dma_start3A_595 = arith.constant 5 : i32
      %dma_start3A_596 = arith.constant 5 : i32
      %dma_start3A_597 = arith.constant 0 : i32
      %dma_start3A_598 = arith.constant 0 : i32
      %dma_start3A_599 = tpu.memref_slice %arg6[%dma_start3A_595, %dma_start3A_597, %dma_start3A_598] : memref<10x64x128xf32, #tpu.memory_space<vmem>> -> memref<1x64x128xf32, #tpu.memory_space<vmem>>
      %dma_start3A_600 = tpu.memref_squeeze %dma_start3A_599 : memref<1x64x128xf32, #tpu.memory_space<vmem>> -> memref<64x128xf32, #tpu.memory_space<vmem>>
      %dma_start3A_601 = arith.constant 0 : i32
      %dma_start3A_602 = tpu.memref_slice %arg4[%add3A_577, %add3A_594, %dma_start3A_601] : memref<50x4096x128xf32, #tpu.memory_space<hbm>> -> memref<1x64x128xf32, #tpu.memory_space<hbm>>
      %dma_start3A_603 = tpu.memref_squeeze %dma_start3A_602 : memref<1x64x128xf32, #tpu.memory_space<hbm>> -> memref<64x128xf32, #tpu.memory_space<hbm>>
      %dma_start3A_604 = tpu.memref_slice %arg8[%dma_start3A_596] : memref<10x!tpu.dma_semaphore, #tpu.memory_space<semaphore_mem>> -> memref<1x!tpu.dma_semaphore, #tpu.memory_space<semaphore_mem>>
      %dma_start3A_605 = tpu.memref_squeeze %dma_start3A_604 : memref<1x!tpu.dma_semaphore, #tpu.memory_space<semaphore_mem>> -> memref<!tpu.dma_semaphore, #tpu.memory_space<semaphore_mem>>
      %dma_start3A_606 = arith.constant 0 : i32
      %dma_start3A_607 = tpu.memref_slice %arg4[%add3A_577, %add3A_594, %dma_start3A_606] : memref<50x4096x128xf32, #tpu.memory_space<hbm>> -> memref<1x64x128xf32, #tpu.memory_space<hbm>>
      %dma_start3A_608 = tpu.memref_squeeze %dma_start3A_607 : memref<1x64x128xf32, #tpu.memory_space<hbm>> -> memref<64x128xf32, #tpu.memory_space<hbm>>
      %dma_start3A_609 = arith.constant 0 : i32
      %dma_start3A_610 = arith.constant 0 : i32
      %dma_start3A_611 = tpu.memref_slice %arg6[%dma_start3A_595, %dma_start3A_609, %dma_start3A_610] : memref<10x64x128xf32, #tpu.memory_space<vmem>> -> memref<1x64x128xf32, #tpu.memory_space<vmem>>
      %dma_start3A_612 = tpu.memref_squeeze %dma_start3A_611 : memref<1x64x128xf32, #tpu.memory_space<vmem>> -> memref<64x128xf32, #tpu.memory_space<vmem>>
      tpu.enqueue_dma source(%dma_start3A_612 : memref<64x128xf32, #tpu.memory_space<vmem>>) target(%dma_start3A_608 : memref<64x128xf32, #tpu.memory_space<hbm>>) target_semaphore(%dma_start3A_605 : memref<!tpu.dma_semaphore, #tpu.memory_space<semaphore_mem>>)
      %mul3A_613 = arith.constant 5 : i32
      %mul3A_614 = arith.muli %scan3A_197, %mul3A_613 : i32
      %add3A_615 = arith.constant 3 : i32
      %add3A_616 = arith.addi %mul3A_614, %add3A_615 : i32
      %dma_wait3A_617 = arith.constant 0 : i32
      %dma_wait3A_618 = arith.constant 6 : i32
      %dma_wait3A_619 = arith.constant 6 : i32
      %dma_wait3A_620 = arith.constant 0 : i32
      %dma_wait3A_621 = arith.constant 0 : i32
      %dma_wait3A_622 = tpu.memref_slice %arg6[%dma_wait3A_618, %dma_wait3A_620, %dma_wait3A_621] : memref<10x64x128xf32, #tpu.memory_space<vmem>> -> memref<1x64x128xf32, #tpu.memory_space<vmem>>
      %dma_wait3A_623 = tpu.memref_squeeze %dma_wait3A_622 : memref<1x64x128xf32, #tpu.memory_space<vmem>> -> memref<64x128xf32, #tpu.memory_space<vmem>>
      %dma_wait3A_624 = arith.constant 0 : i32
      %dma_wait3A_625 = tpu.memref_slice %arg5[%dma_wait3A_617, %dma_wait3A_624] : memref<50x128xi32, #tpu.memory_space<vmem>> -> memref<1x64xi32, #tpu.memory_space<vmem>>
      %dma_wait3A_626 = tpu.memref_squeeze %dma_wait3A_625 : memref<1x64xi32, #tpu.memory_space<vmem>> -> memref<64xi32, #tpu.memory_space<vmem>>
      %dma_wait3A_627 = arith.constant 0 : i32
      %dma_wait3A_628 = arith.constant 0 : i32
      %dma_wait3A_629 = tpu.memref_slice %arg3[%dma_wait3A_627, %dma_wait3A_628] : memref<100000x128xf32, #tpu.memory_space<hbm>> -> memref<100000x128xf32, #tpu.memory_space<hbm>>
      %dma_wait3A_630 = tpu.memref_slice %arg7[%dma_wait3A_619] : memref<10x!tpu.dma_semaphore, #tpu.memory_space<semaphore_mem>> -> memref<1x!tpu.dma_semaphore, #tpu.memory_space<semaphore_mem>>
      %dma_wait3A_631 = tpu.memref_squeeze %dma_wait3A_630 : memref<1x!tpu.dma_semaphore, #tpu.memory_space<semaphore_mem>> -> memref<!tpu.dma_semaphore, #tpu.memory_space<semaphore_mem>>
      tpu.wait_indirect_dma semaphore(%dma_wait3A_631 : memref<!tpu.dma_semaphore, #tpu.memory_space<semaphore_mem>>) src(%dma_wait3A_629 : memref<100000x128xf32, #tpu.memory_space<hbm>>) dst(%dma_wait3A_623 : memref<64x128xf32, #tpu.memory_space<vmem>>)
      %add3A_632 = arith.constant 0 : i32
      %add3A_633 = arith.addi %mul3A_2, %add3A_632 : i32
      %dma_start3A_634 = arith.constant 6 : i32
      %dma_start3A_635 = arith.constant 6 : i32
      %dma_start3A_636 = arith.constant 0 : i32
      %dma_start3A_637 = arith.constant 0 : i32
      %dma_start3A_638 = tpu.memref_slice %arg6[%dma_start3A_634, %dma_start3A_636, %dma_start3A_637] : memref<10x64x128xf32, #tpu.memory_space<vmem>> -> memref<1x64x128xf32, #tpu.memory_space<vmem>>
      %dma_start3A_639 = tpu.memref_squeeze %dma_start3A_638 : memref<1x64x128xf32, #tpu.memory_space<vmem>> -> memref<64x128xf32, #tpu.memory_space<vmem>>
      %dma_start3A_640 = arith.constant 0 : i32
      %dma_start3A_641 = tpu.memref_slice %arg4[%add3A_616, %add3A_633, %dma_start3A_640] : memref<50x4096x128xf32, #tpu.memory_space<hbm>> -> memref<1x64x128xf32, #tpu.memory_space<hbm>>
      %dma_start3A_642 = tpu.memref_squeeze %dma_start3A_641 : memref<1x64x128xf32, #tpu.memory_space<hbm>> -> memref<64x128xf32, #tpu.memory_space<hbm>>
      %dma_start3A_643 = tpu.memref_slice %arg8[%dma_start3A_635] : memref<10x!tpu.dma_semaphore, #tpu.memory_space<semaphore_mem>> -> memref<1x!tpu.dma_semaphore, #tpu.memory_space<semaphore_mem>>
      %dma_start3A_644 = tpu.memref_squeeze %dma_start3A_643 : memref<1x!tpu.dma_semaphore, #tpu.memory_space<semaphore_mem>> -> memref<!tpu.dma_semaphore, #tpu.memory_space<semaphore_mem>>
      %dma_start3A_645 = arith.constant 0 : i32
      %dma_start3A_646 = tpu.memref_slice %arg4[%add3A_616, %add3A_633, %dma_start3A_645] : memref<50x4096x128xf32, #tpu.memory_space<hbm>> -> memref<1x64x128xf32, #tpu.memory_space<hbm>>
      %dma_start3A_647 = tpu.memref_squeeze %dma_start3A_646 : memref<1x64x128xf32, #tpu.memory_space<hbm>> -> memref<64x128xf32, #tpu.memory_space<hbm>>
      %dma_start3A_648 = arith.constant 0 : i32
      %dma_start3A_649 = arith.constant 0 : i32
      %dma_start3A_650 = tpu.memref_slice %arg6[%dma_start3A_634, %dma_start3A_648, %dma_start3A_649] : memref<10x64x128xf32, #tpu.memory_space<vmem>> -> memref<1x64x128xf32, #tpu.memory_space<vmem>>
      %dma_start3A_651 = tpu.memref_squeeze %dma_start3A_650 : memref<1x64x128xf32, #tpu.memory_space<vmem>> -> memref<64x128xf32, #tpu.memory_space<vmem>>
      tpu.enqueue_dma source(%dma_start3A_651 : memref<64x128xf32, #tpu.memory_space<vmem>>) target(%dma_start3A_647 : memref<64x128xf32, #tpu.memory_space<hbm>>) target_semaphore(%dma_start3A_644 : memref<!tpu.dma_semaphore, #tpu.memory_space<semaphore_mem>>)
      %mul3A_652 = arith.constant 5 : i32
      %mul3A_653 = arith.muli %scan3A_197, %mul3A_652 : i32
      %add3A_654 = arith.constant 3 : i32
      %add3A_655 = arith.addi %mul3A_653, %add3A_654 : i32
      %dma_wait3A_656 = arith.constant 0 : i32
      %dma_wait3A_657 = arith.constant 7 : i32
      %dma_wait3A_658 = arith.constant 7 : i32
      %dma_wait3A_659 = arith.constant 0 : i32
      %dma_wait3A_660 = arith.constant 0 : i32
      %dma_wait3A_661 = tpu.memref_slice %arg6[%dma_wait3A_657, %dma_wait3A_659, %dma_wait3A_660] : memref<10x64x128xf32, #tpu.memory_space<vmem>> -> memref<1x64x128xf32, #tpu.memory_space<vmem>>
      %dma_wait3A_662 = tpu.memref_squeeze %dma_wait3A_661 : memref<1x64x128xf32, #tpu.memory_space<vmem>> -> memref<64x128xf32, #tpu.memory_space<vmem>>
      %dma_wait3A_663 = arith.constant 0 : i32
      %dma_wait3A_664 = tpu.memref_slice %arg5[%dma_wait3A_656, %dma_wait3A_663] : memref<50x128xi32, #tpu.memory_space<vmem>> -> memref<1x64xi32, #tpu.memory_space<vmem>>
      %dma_wait3A_665 = tpu.memref_squeeze %dma_wait3A_664 : memref<1x64xi32, #tpu.memory_space<vmem>> -> memref<64xi32, #tpu.memory_space<vmem>>
      %dma_wait3A_666 = arith.constant 0 : i32
      %dma_wait3A_667 = arith.constant 0 : i32
      %dma_wait3A_668 = tpu.memref_slice %arg3[%dma_wait3A_666, %dma_wait3A_667] : memref<100000x128xf32, #tpu.memory_space<hbm>> -> memref<100000x128xf32, #tpu.memory_space<hbm>>
      %dma_wait3A_669 = tpu.memref_slice %arg7[%dma_wait3A_658] : memref<10x!tpu.dma_semaphore, #tpu.memory_space<semaphore_mem>> -> memref<1x!tpu.dma_semaphore, #tpu.memory_space<semaphore_mem>>
      %dma_wait3A_670 = tpu.memref_squeeze %dma_wait3A_669 : memref<1x!tpu.dma_semaphore, #tpu.memory_space<semaphore_mem>> -> memref<!tpu.dma_semaphore, #tpu.memory_space<semaphore_mem>>
      tpu.wait_indirect_dma semaphore(%dma_wait3A_670 : memref<!tpu.dma_semaphore, #tpu.memory_space<semaphore_mem>>) src(%dma_wait3A_668 : memref<100000x128xf32, #tpu.memory_space<hbm>>) dst(%dma_wait3A_662 : memref<64x128xf32, #tpu.memory_space<vmem>>)
      %add3A_671 = arith.constant 64 : i32
      %add3A_672 = arith.addi %mul3A_2, %add3A_671 : i32
      %dma_start3A_673 = arith.constant 7 : i32
      %dma_start3A_674 = arith.constant 7 : i32
      %dma_start3A_675 = arith.constant 0 : i32
      %dma_start3A_676 = arith.constant 0 : i32
      %dma_start3A_677 = tpu.memref_slice %arg6[%dma_start3A_673, %dma_start3A_675, %dma_start3A_676] : memref<10x64x128xf32, #tpu.memory_space<vmem>> -> memref<1x64x128xf32, #tpu.memory_space<vmem>>
      %dma_start3A_678 = tpu.memref_squeeze %dma_start3A_677 : memref<1x64x128xf32, #tpu.memory_space<vmem>> -> memref<64x128xf32, #tpu.memory_space<vmem>>
      %dma_start3A_679 = arith.constant 0 : i32
      %dma_start3A_680 = tpu.memref_slice %arg4[%add3A_655, %add3A_672, %dma_start3A_679] : memref<50x4096x128xf32, #tpu.memory_space<hbm>> -> memref<1x64x128xf32, #tpu.memory_space<hbm>>
      %dma_start3A_681 = tpu.memref_squeeze %dma_start3A_680 : memref<1x64x128xf32, #tpu.memory_space<hbm>> -> memref<64x128xf32, #tpu.memory_space<hbm>>
      %dma_start3A_682 = tpu.memref_slice %arg8[%dma_start3A_674] : memref<10x!tpu.dma_semaphore, #tpu.memory_space<semaphore_mem>> -> memref<1x!tpu.dma_semaphore, #tpu.memory_space<semaphore_mem>>
      %dma_start3A_683 = tpu.memref_squeeze %dma_start3A_682 : memref<1x!tpu.dma_semaphore, #tpu.memory_space<semaphore_mem>> -> memref<!tpu.dma_semaphore, #tpu.memory_space<semaphore_mem>>
      %dma_start3A_684 = arith.constant 0 : i32
      %dma_start3A_685 = tpu.memref_slice %arg4[%add3A_655, %add3A_672, %dma_start3A_684] : memref<50x4096x128xf32, #tpu.memory_space<hbm>> -> memref<1x64x128xf32, #tpu.memory_space<hbm>>
      %dma_start3A_686 = tpu.memref_squeeze %dma_start3A_685 : memref<1x64x128xf32, #tpu.memory_space<hbm>> -> memref<64x128xf32, #tpu.memory_space<hbm>>
      %dma_start3A_687 = arith.constant 0 : i32
      %dma_start3A_688 = arith.constant 0 : i32
      %dma_start3A_689 = tpu.memref_slice %arg6[%dma_start3A_673, %dma_start3A_687, %dma_start3A_688] : memref<10x64x128xf32, #tpu.memory_space<vmem>> -> memref<1x64x128xf32, #tpu.memory_space<vmem>>
      %dma_start3A_690 = tpu.memref_squeeze %dma_start3A_689 : memref<1x64x128xf32, #tpu.memory_space<vmem>> -> memref<64x128xf32, #tpu.memory_space<vmem>>
      tpu.enqueue_dma source(%dma_start3A_690 : memref<64x128xf32, #tpu.memory_space<vmem>>) target(%dma_start3A_686 : memref<64x128xf32, #tpu.memory_space<hbm>>) target_semaphore(%dma_start3A_683 : memref<!tpu.dma_semaphore, #tpu.memory_space<semaphore_mem>>)
      %mul3A_691 = arith.constant 5 : i32
      %mul3A_692 = arith.muli %scan3A_197, %mul3A_691 : i32
      %add3A_693 = arith.constant 4 : i32
      %add3A_694 = arith.addi %mul3A_692, %add3A_693 : i32
      %dma_wait3A_695 = arith.constant 0 : i32
      %dma_wait3A_696 = arith.constant 8 : i32
      %dma_wait3A_697 = arith.constant 8 : i32
      %dma_wait3A_698 = arith.constant 0 : i32
      %dma_wait3A_699 = arith.constant 0 : i32
      %dma_wait3A_700 = tpu.memref_slice %arg6[%dma_wait3A_696, %dma_wait3A_698, %dma_wait3A_699] : memref<10x64x128xf32, #tpu.memory_space<vmem>> -> memref<1x64x128xf32, #tpu.memory_space<vmem>>
      %dma_wait3A_701 = tpu.memref_squeeze %dma_wait3A_700 : memref<1x64x128xf32, #tpu.memory_space<vmem>> -> memref<64x128xf32, #tpu.memory_space<vmem>>
      %dma_wait3A_702 = arith.constant 0 : i32
      %dma_wait3A_703 = tpu.memref_slice %arg5[%dma_wait3A_695, %dma_wait3A_702] : memref<50x128xi32, #tpu.memory_space<vmem>> -> memref<1x64xi32, #tpu.memory_space<vmem>>
      %dma_wait3A_704 = tpu.memref_squeeze %dma_wait3A_703 : memref<1x64xi32, #tpu.memory_space<vmem>> -> memref<64xi32, #tpu.memory_space<vmem>>
      %dma_wait3A_705 = arith.constant 0 : i32
      %dma_wait3A_706 = arith.constant 0 : i32
      %dma_wait3A_707 = tpu.memref_slice %arg3[%dma_wait3A_705, %dma_wait3A_706] : memref<100000x128xf32, #tpu.memory_space<hbm>> -> memref<100000x128xf32, #tpu.memory_space<hbm>>
      %dma_wait3A_708 = tpu.memref_slice %arg7[%dma_wait3A_697] : memref<10x!tpu.dma_semaphore, #tpu.memory_space<semaphore_mem>> -> memref<1x!tpu.dma_semaphore, #tpu.memory_space<semaphore_mem>>
      %dma_wait3A_709 = tpu.memref_squeeze %dma_wait3A_708 : memref<1x!tpu.dma_semaphore, #tpu.memory_space<semaphore_mem>> -> memref<!tpu.dma_semaphore, #tpu.memory_space<semaphore_mem>>
      tpu.wait_indirect_dma semaphore(%dma_wait3A_709 : memref<!tpu.dma_semaphore, #tpu.memory_space<semaphore_mem>>) src(%dma_wait3A_707 : memref<100000x128xf32, #tpu.memory_space<hbm>>) dst(%dma_wait3A_701 : memref<64x128xf32, #tpu.memory_space<vmem>>)
      %add3A_710 = arith.constant 0 : i32
      %add3A_711 = arith.addi %mul3A_2, %add3A_710 : i32
      %dma_start3A_712 = arith.constant 8 : i32
      %dma_start3A_713 = arith.constant 8 : i32
      %dma_start3A_714 = arith.constant 0 : i32
      %dma_start3A_715 = arith.constant 0 : i32
      %dma_start3A_716 = tpu.memref_slice %arg6[%dma_start3A_712, %dma_start3A_714, %dma_start3A_715] : memref<10x64x128xf32, #tpu.memory_space<vmem>> -> memref<1x64x128xf32, #tpu.memory_space<vmem>>
      %dma_start3A_717 = tpu.memref_squeeze %dma_start3A_716 : memref<1x64x128xf32, #tpu.memory_space<vmem>> -> memref<64x128xf32, #tpu.memory_space<vmem>>
      %dma_start3A_718 = arith.constant 0 : i32
      %dma_start3A_719 = tpu.memref_slice %arg4[%add3A_694, %add3A_711, %dma_start3A_718] : memref<50x4096x128xf32, #tpu.memory_space<hbm>> -> memref<1x64x128xf32, #tpu.memory_space<hbm>>
      %dma_start3A_720 = tpu.memref_squeeze %dma_start3A_719 : memref<1x64x128xf32, #tpu.memory_space<hbm>> -> memref<64x128xf32, #tpu.memory_space<hbm>>
      %dma_start3A_721 = tpu.memref_slice %arg8[%dma_start3A_713] : memref<10x!tpu.dma_semaphore, #tpu.memory_space<semaphore_mem>> -> memref<1x!tpu.dma_semaphore, #tpu.memory_space<semaphore_mem>>
      %dma_start3A_722 = tpu.memref_squeeze %dma_start3A_721 : memref<1x!tpu.dma_semaphore, #tpu.memory_space<semaphore_mem>> -> memref<!tpu.dma_semaphore, #tpu.memory_space<semaphore_mem>>
      %dma_start3A_723 = arith.constant 0 : i32
      %dma_start3A_724 = tpu.memref_slice %arg4[%add3A_694, %add3A_711, %dma_start3A_723] : memref<50x4096x128xf32, #tpu.memory_space<hbm>> -> memref<1x64x128xf32, #tpu.memory_space<hbm>>
      %dma_start3A_725 = tpu.memref_squeeze %dma_start3A_724 : memref<1x64x128xf32, #tpu.memory_space<hbm>> -> memref<64x128xf32, #tpu.memory_space<hbm>>
      %dma_start3A_726 = arith.constant 0 : i32
      %dma_start3A_727 = arith.constant 0 : i32
      %dma_start3A_728 = tpu.memref_slice %arg6[%dma_start3A_712, %dma_start3A_726, %dma_start3A_727] : memref<10x64x128xf32, #tpu.memory_space<vmem>> -> memref<1x64x128xf32, #tpu.memory_space<vmem>>
      %dma_start3A_729 = tpu.memref_squeeze %dma_start3A_728 : memref<1x64x128xf32, #tpu.memory_space<vmem>> -> memref<64x128xf32, #tpu.memory_space<vmem>>
      tpu.enqueue_dma source(%dma_start3A_729 : memref<64x128xf32, #tpu.memory_space<vmem>>) target(%dma_start3A_725 : memref<64x128xf32, #tpu.memory_space<hbm>>) target_semaphore(%dma_start3A_722 : memref<!tpu.dma_semaphore, #tpu.memory_space<semaphore_mem>>)
      %mul3A_730 = arith.constant 5 : i32
      %mul3A_731 = arith.muli %scan3A_197, %mul3A_730 : i32
      %add3A_732 = arith.constant 4 : i32
      %add3A_733 = arith.addi %mul3A_731, %add3A_732 : i32
      %dma_wait3A_734 = arith.constant 0 : i32
      %dma_wait3A_735 = arith.constant 9 : i32
      %dma_wait3A_736 = arith.constant 9 : i32
      %dma_wait3A_737 = arith.constant 0 : i32
      %dma_wait3A_738 = arith.constant 0 : i32
      %dma_wait3A_739 = tpu.memref_slice %arg6[%dma_wait3A_735, %dma_wait3A_737, %dma_wait3A_738] : memref<10x64x128xf32, #tpu.memory_space<vmem>> -> memref<1x64x128xf32, #tpu.memory_space<vmem>>
      %dma_wait3A_740 = tpu.memref_squeeze %dma_wait3A_739 : memref<1x64x128xf32, #tpu.memory_space<vmem>> -> memref<64x128xf32, #tpu.memory_space<vmem>>
      %dma_wait3A_741 = arith.constant 0 : i32
      %dma_wait3A_742 = tpu.memref_slice %arg5[%dma_wait3A_734, %dma_wait3A_741] : memref<50x128xi32, #tpu.memory_space<vmem>> -> memref<1x64xi32, #tpu.memory_space<vmem>>
      %dma_wait3A_743 = tpu.memref_squeeze %dma_wait3A_742 : memref<1x64xi32, #tpu.memory_space<vmem>> -> memref<64xi32, #tpu.memory_space<vmem>>
      %dma_wait3A_744 = arith.constant 0 : i32
      %dma_wait3A_745 = arith.constant 0 : i32
      %dma_wait3A_746 = tpu.memref_slice %arg3[%dma_wait3A_744, %dma_wait3A_745] : memref<100000x128xf32, #tpu.memory_space<hbm>> -> memref<100000x128xf32, #tpu.memory_space<hbm>>
      %dma_wait3A_747 = tpu.memref_slice %arg7[%dma_wait3A_736] : memref<10x!tpu.dma_semaphore, #tpu.memory_space<semaphore_mem>> -> memref<1x!tpu.dma_semaphore, #tpu.memory_space<semaphore_mem>>
      %dma_wait3A_748 = tpu.memref_squeeze %dma_wait3A_747 : memref<1x!tpu.dma_semaphore, #tpu.memory_space<semaphore_mem>> -> memref<!tpu.dma_semaphore, #tpu.memory_space<semaphore_mem>>
      tpu.wait_indirect_dma semaphore(%dma_wait3A_748 : memref<!tpu.dma_semaphore, #tpu.memory_space<semaphore_mem>>) src(%dma_wait3A_746 : memref<100000x128xf32, #tpu.memory_space<hbm>>) dst(%dma_wait3A_740 : memref<64x128xf32, #tpu.memory_space<vmem>>)
      %add3A_749 = arith.constant 64 : i32
      %add3A_750 = arith.addi %mul3A_2, %add3A_749 : i32
      %dma_start3A_751 = arith.constant 9 : i32
      %dma_start3A_752 = arith.constant 9 : i32
      %dma_start3A_753 = arith.constant 0 : i32
      %dma_start3A_754 = arith.constant 0 : i32
      %dma_start3A_755 = tpu.memref_slice %arg6[%dma_start3A_751, %dma_start3A_753, %dma_start3A_754] : memref<10x64x128xf32, #tpu.memory_space<vmem>> -> memref<1x64x128xf32, #tpu.memory_space<vmem>>
      %dma_start3A_756 = tpu.memref_squeeze %dma_start3A_755 : memref<1x64x128xf32, #tpu.memory_space<vmem>> -> memref<64x128xf32, #tpu.memory_space<vmem>>
      %dma_start3A_757 = arith.constant 0 : i32
      %dma_start3A_758 = tpu.memref_slice %arg4[%add3A_733, %add3A_750, %dma_start3A_757] : memref<50x4096x128xf32, #tpu.memory_space<hbm>> -> memref<1x64x128xf32, #tpu.memory_space<hbm>>
      %dma_start3A_759 = tpu.memref_squeeze %dma_start3A_758 : memref<1x64x128xf32, #tpu.memory_space<hbm>> -> memref<64x128xf32, #tpu.memory_space<hbm>>
      %dma_start3A_760 = tpu.memref_slice %arg8[%dma_start3A_752] : memref<10x!tpu.dma_semaphore, #tpu.memory_space<semaphore_mem>> -> memref<1x!tpu.dma_semaphore, #tpu.memory_space<semaphore_mem>>
      %dma_start3A_761 = tpu.memref_squeeze %dma_start3A_760 : memref<1x!tpu.dma_semaphore, #tpu.memory_space<semaphore_mem>> -> memref<!tpu.dma_semaphore, #tpu.memory_space<semaphore_mem>>
      %dma_start3A_762 = arith.constant 0 : i32
      %dma_start3A_763 = tpu.memref_slice %arg4[%add3A_733, %add3A_750, %dma_start3A_762] : memref<50x4096x128xf32, #tpu.memory_space<hbm>> -> memref<1x64x128xf32, #tpu.memory_space<hbm>>
      %dma_start3A_764 = tpu.memref_squeeze %dma_start3A_763 : memref<1x64x128xf32, #tpu.memory_space<hbm>> -> memref<64x128xf32, #tpu.memory_space<hbm>>
      %dma_start3A_765 = arith.constant 0 : i32
      %dma_start3A_766 = arith.constant 0 : i32
      %dma_start3A_767 = tpu.memref_slice %arg6[%dma_start3A_751, %dma_start3A_765, %dma_start3A_766] : memref<10x64x128xf32, #tpu.memory_space<vmem>> -> memref<1x64x128xf32, #tpu.memory_space<vmem>>
      %dma_start3A_768 = tpu.memref_squeeze %dma_start3A_767 : memref<1x64x128xf32, #tpu.memory_space<vmem>> -> memref<64x128xf32, #tpu.memory_space<vmem>>
      tpu.enqueue_dma source(%dma_start3A_768 : memref<64x128xf32, #tpu.memory_space<vmem>>) target(%dma_start3A_764 : memref<64x128xf32, #tpu.memory_space<hbm>>) target_semaphore(%dma_start3A_761 : memref<!tpu.dma_semaphore, #tpu.memory_space<semaphore_mem>>)
    }
    %scan3A_7 = arith.constant 10 : i32
    %dma_wait3A = arith.constant 0 : i32
    %dma_wait3A_8 = arith.constant 0 : i32
    %dma_wait3A_9 = arith.constant 0 : i32
    %dma_wait3A_10 = arith.constant 0 : i32
    %dma_wait3A_11 = arith.constant 0 : i32
    %dma_wait3A_12 = tpu.memref_slice %arg6[%dma_wait3A, %dma_wait3A_10, %dma_wait3A_11] : memref<10x64x128xf32, #tpu.memory_space<vmem>> -> memref<1x64x128xf32, #tpu.memory_space<vmem>>
    %dma_wait3A_13 = tpu.memref_squeeze %dma_wait3A_12 : memref<1x64x128xf32, #tpu.memory_space<vmem>> -> memref<64x128xf32, #tpu.memory_space<vmem>>
    %dma_wait3A_14 = arith.constant 0 : i32
    %dma_wait3A_15 = tpu.memref_slice %arg4[%dma_wait3A_8, %mul3A_2, %dma_wait3A_14] : memref<50x4096x128xf32, #tpu.memory_space<hbm>> -> memref<1x64x128xf32, #tpu.memory_space<hbm>>
    %dma_wait3A_16 = tpu.memref_squeeze %dma_wait3A_15 : memref<1x64x128xf32, #tpu.memory_space<hbm>> -> memref<64x128xf32, #tpu.memory_space<hbm>>
    %dma_wait3A_17 = tpu.memref_slice %arg8[%dma_wait3A_9] : memref<10x!tpu.dma_semaphore, #tpu.memory_space<semaphore_mem>> -> memref<1x!tpu.dma_semaphore, #tpu.memory_space<semaphore_mem>>
    %dma_wait3A_18 = tpu.memref_squeeze %dma_wait3A_17 : memref<1x!tpu.dma_semaphore, #tpu.memory_space<semaphore_mem>> -> memref<!tpu.dma_semaphore, #tpu.memory_space<semaphore_mem>>
    %dma_wait3A_19 = arith.constant 0 : i32
    %dma_wait3A_20 = tpu.memref_slice %arg4[%dma_wait3A_8, %mul3A_2, %dma_wait3A_19] : memref<50x4096x128xf32, #tpu.memory_space<hbm>> -> memref<1x64x128xf32, #tpu.memory_space<hbm>>
    %dma_wait3A_21 = tpu.memref_squeeze %dma_wait3A_20 : memref<1x64x128xf32, #tpu.memory_space<hbm>> -> memref<64x128xf32, #tpu.memory_space<hbm>>
    %dma_wait3A_22 = arith.constant 0 : i32
    %dma_wait3A_23 = arith.constant 0 : i32
    %dma_wait3A_24 = tpu.memref_slice %arg6[%dma_wait3A, %dma_wait3A_22, %dma_wait3A_23] : memref<10x64x128xf32, #tpu.memory_space<vmem>> -> memref<1x64x128xf32, #tpu.memory_space<vmem>>
    %dma_wait3A_25 = tpu.memref_squeeze %dma_wait3A_24 : memref<1x64x128xf32, #tpu.memory_space<vmem>> -> memref<64x128xf32, #tpu.memory_space<vmem>>
    tpu.wait_dma2 semaphore(%dma_wait3A_18 : memref<!tpu.dma_semaphore, #tpu.memory_space<semaphore_mem>>) src(%dma_wait3A_25 : memref<64x128xf32, #tpu.memory_space<vmem>>) dst(%dma_wait3A_21 : memref<64x128xf32, #tpu.memory_space<hbm>>)
    %dma_wait3A_26 = arith.constant 1 : i32
    %dma_wait3A_27 = arith.constant 0 : i32
    %dma_wait3A_28 = arith.constant 1 : i32
    %dma_wait3A_29 = arith.constant 0 : i32
    %dma_wait3A_30 = arith.constant 0 : i32
    %dma_wait3A_31 = tpu.memref_slice %arg6[%dma_wait3A_26, %dma_wait3A_29, %dma_wait3A_30] : memref<10x64x128xf32, #tpu.memory_space<vmem>> -> memref<1x64x128xf32, #tpu.memory_space<vmem>>
    %dma_wait3A_32 = tpu.memref_squeeze %dma_wait3A_31 : memref<1x64x128xf32, #tpu.memory_space<vmem>> -> memref<64x128xf32, #tpu.memory_space<vmem>>
    %dma_wait3A_33 = arith.constant 0 : i32
    %dma_wait3A_34 = tpu.memref_slice %arg4[%dma_wait3A_27, %mul3A_2, %dma_wait3A_33] : memref<50x4096x128xf32, #tpu.memory_space<hbm>> -> memref<1x64x128xf32, #tpu.memory_space<hbm>>
    %dma_wait3A_35 = tpu.memref_squeeze %dma_wait3A_34 : memref<1x64x128xf32, #tpu.memory_space<hbm>> -> memref<64x128xf32, #tpu.memory_space<hbm>>
    %dma_wait3A_36 = tpu.memref_slice %arg8[%dma_wait3A_28] : memref<10x!tpu.dma_semaphore, #tpu.memory_space<semaphore_mem>> -> memref<1x!tpu.dma_semaphore, #tpu.memory_space<semaphore_mem>>
    %dma_wait3A_37 = tpu.memref_squeeze %dma_wait3A_36 : memref<1x!tpu.dma_semaphore, #tpu.memory_space<semaphore_mem>> -> memref<!tpu.dma_semaphore, #tpu.memory_space<semaphore_mem>>
    %dma_wait3A_38 = arith.constant 0 : i32
    %dma_wait3A_39 = tpu.memref_slice %arg4[%dma_wait3A_27, %mul3A_2, %dma_wait3A_38] : memref<50x4096x128xf32, #tpu.memory_space<hbm>> -> memref<1x64x128xf32, #tpu.memory_space<hbm>>
    %dma_wait3A_40 = tpu.memref_squeeze %dma_wait3A_39 : memref<1x64x128xf32, #tpu.memory_space<hbm>> -> memref<64x128xf32, #tpu.memory_space<hbm>>
    %dma_wait3A_41 = arith.constant 0 : i32
    %dma_wait3A_42 = arith.constant 0 : i32
    %dma_wait3A_43 = tpu.memref_slice %arg6[%dma_wait3A_26, %dma_wait3A_41, %dma_wait3A_42] : memref<10x64x128xf32, #tpu.memory_space<vmem>> -> memref<1x64x128xf32, #tpu.memory_space<vmem>>
    %dma_wait3A_44 = tpu.memref_squeeze %dma_wait3A_43 : memref<1x64x128xf32, #tpu.memory_space<vmem>> -> memref<64x128xf32, #tpu.memory_space<vmem>>
    tpu.wait_dma2 semaphore(%dma_wait3A_37 : memref<!tpu.dma_semaphore, #tpu.memory_space<semaphore_mem>>) src(%dma_wait3A_44 : memref<64x128xf32, #tpu.memory_space<vmem>>) dst(%dma_wait3A_40 : memref<64x128xf32, #tpu.memory_space<hbm>>)
    %dma_wait3A_45 = arith.constant 2 : i32
    %dma_wait3A_46 = arith.constant 0 : i32
    %dma_wait3A_47 = arith.constant 2 : i32
    %dma_wait3A_48 = arith.constant 0 : i32
    %dma_wait3A_49 = arith.constant 0 : i32
    %dma_wait3A_50 = tpu.memref_slice %arg6[%dma_wait3A_45, %dma_wait3A_48, %dma_wait3A_49] : memref<10x64x128xf32, #tpu.memory_space<vmem>> -> memref<1x64x128xf32, #tpu.memory_space<vmem>>
    %dma_wait3A_51 = tpu.memref_squeeze %dma_wait3A_50 : memref<1x64x128xf32, #tpu.memory_space<vmem>> -> memref<64x128xf32, #tpu.memory_space<vmem>>
    %dma_wait3A_52 = arith.constant 0 : i32
    %dma_wait3A_53 = tpu.memref_slice %arg4[%dma_wait3A_46, %mul3A_2, %dma_wait3A_52] : memref<50x4096x128xf32, #tpu.memory_space<hbm>> -> memref<1x64x128xf32, #tpu.memory_space<hbm>>
    %dma_wait3A_54 = tpu.memref_squeeze %dma_wait3A_53 : memref<1x64x128xf32, #tpu.memory_space<hbm>> -> memref<64x128xf32, #tpu.memory_space<hbm>>
    %dma_wait3A_55 = tpu.memref_slice %arg8[%dma_wait3A_47] : memref<10x!tpu.dma_semaphore, #tpu.memory_space<semaphore_mem>> -> memref<1x!tpu.dma_semaphore, #tpu.memory_space<semaphore_mem>>
    %dma_wait3A_56 = tpu.memref_squeeze %dma_wait3A_55 : memref<1x!tpu.dma_semaphore, #tpu.memory_space<semaphore_mem>> -> memref<!tpu.dma_semaphore, #tpu.memory_space<semaphore_mem>>
    %dma_wait3A_57 = arith.constant 0 : i32
    %dma_wait3A_58 = tpu.memref_slice %arg4[%dma_wait3A_46, %mul3A_2, %dma_wait3A_57] : memref<50x4096x128xf32, #tpu.memory_space<hbm>> -> memref<1x64x128xf32, #tpu.memory_space<hbm>>
    %dma_wait3A_59 = tpu.memref_squeeze %dma_wait3A_58 : memref<1x64x128xf32, #tpu.memory_space<hbm>> -> memref<64x128xf32, #tpu.memory_space<hbm>>
    %dma_wait3A_60 = arith.constant 0 : i32
    %dma_wait3A_61 = arith.constant 0 : i32
    %dma_wait3A_62 = tpu.memref_slice %arg6[%dma_wait3A_45, %dma_wait3A_60, %dma_wait3A_61] : memref<10x64x128xf32, #tpu.memory_space<vmem>> -> memref<1x64x128xf32, #tpu.memory_space<vmem>>
    %dma_wait3A_63 = tpu.memref_squeeze %dma_wait3A_62 : memref<1x64x128xf32, #tpu.memory_space<vmem>> -> memref<64x128xf32, #tpu.memory_space<vmem>>
    tpu.wait_dma2 semaphore(%dma_wait3A_56 : memref<!tpu.dma_semaphore, #tpu.memory_space<semaphore_mem>>) src(%dma_wait3A_63 : memref<64x128xf32, #tpu.memory_space<vmem>>) dst(%dma_wait3A_59 : memref<64x128xf32, #tpu.memory_space<hbm>>)
    %dma_wait3A_64 = arith.constant 3 : i32
    %dma_wait3A_65 = arith.constant 0 : i32
    %dma_wait3A_66 = arith.constant 3 : i32
    %dma_wait3A_67 = arith.constant 0 : i32
    %dma_wait3A_68 = arith.constant 0 : i32
    %dma_wait3A_69 = tpu.memref_slice %arg6[%dma_wait3A_64, %dma_wait3A_67, %dma_wait3A_68] : memref<10x64x128xf32, #tpu.memory_space<vmem>> -> memref<1x64x128xf32, #tpu.memory_space<vmem>>
    %dma_wait3A_70 = tpu.memref_squeeze %dma_wait3A_69 : memref<1x64x128xf32, #tpu.memory_space<vmem>> -> memref<64x128xf32, #tpu.memory_space<vmem>>
    %dma_wait3A_71 = arith.constant 0 : i32
    %dma_wait3A_72 = tpu.memref_slice %arg4[%dma_wait3A_65, %mul3A_2, %dma_wait3A_71] : memref<50x4096x128xf32, #tpu.memory_space<hbm>> -> memref<1x64x128xf32, #tpu.memory_space<hbm>>
    %dma_wait3A_73 = tpu.memref_squeeze %dma_wait3A_72 : memref<1x64x128xf32, #tpu.memory_space<hbm>> -> memref<64x128xf32, #tpu.memory_space<hbm>>
    %dma_wait3A_74 = tpu.memref_slice %arg8[%dma_wait3A_66] : memref<10x!tpu.dma_semaphore, #tpu.memory_space<semaphore_mem>> -> memref<1x!tpu.dma_semaphore, #tpu.memory_space<semaphore_mem>>
    %dma_wait3A_75 = tpu.memref_squeeze %dma_wait3A_74 : memref<1x!tpu.dma_semaphore, #tpu.memory_space<semaphore_mem>> -> memref<!tpu.dma_semaphore, #tpu.memory_space<semaphore_mem>>
    %dma_wait3A_76 = arith.constant 0 : i32
    %dma_wait3A_77 = tpu.memref_slice %arg4[%dma_wait3A_65, %mul3A_2, %dma_wait3A_76] : memref<50x4096x128xf32, #tpu.memory_space<hbm>> -> memref<1x64x128xf32, #tpu.memory_space<hbm>>
    %dma_wait3A_78 = tpu.memref_squeeze %dma_wait3A_77 : memref<1x64x128xf32, #tpu.memory_space<hbm>> -> memref<64x128xf32, #tpu.memory_space<hbm>>
    %dma_wait3A_79 = arith.constant 0 : i32
    %dma_wait3A_80 = arith.constant 0 : i32
    %dma_wait3A_81 = tpu.memref_slice %arg6[%dma_wait3A_64, %dma_wait3A_79, %dma_wait3A_80] : memref<10x64x128xf32, #tpu.memory_space<vmem>> -> memref<1x64x128xf32, #tpu.memory_space<vmem>>
    %dma_wait3A_82 = tpu.memref_squeeze %dma_wait3A_81 : memref<1x64x128xf32, #tpu.memory_space<vmem>> -> memref<64x128xf32, #tpu.memory_space<vmem>>
    tpu.wait_dma2 semaphore(%dma_wait3A_75 : memref<!tpu.dma_semaphore, #tpu.memory_space<semaphore_mem>>) src(%dma_wait3A_82 : memref<64x128xf32, #tpu.memory_space<vmem>>) dst(%dma_wait3A_78 : memref<64x128xf32, #tpu.memory_space<hbm>>)
    %dma_wait3A_83 = arith.constant 4 : i32
    %dma_wait3A_84 = arith.constant 0 : i32
    %dma_wait3A_85 = arith.constant 4 : i32
    %dma_wait3A_86 = arith.constant 0 : i32
    %dma_wait3A_87 = arith.constant 0 : i32
    %dma_wait3A_88 = tpu.memref_slice %arg6[%dma_wait3A_83, %dma_wait3A_86, %dma_wait3A_87] : memref<10x64x128xf32, #tpu.memory_space<vmem>> -> memref<1x64x128xf32, #tpu.memory_space<vmem>>
    %dma_wait3A_89 = tpu.memref_squeeze %dma_wait3A_88 : memref<1x64x128xf32, #tpu.memory_space<vmem>> -> memref<64x128xf32, #tpu.memory_space<vmem>>
    %dma_wait3A_90 = arith.constant 0 : i32
    %dma_wait3A_91 = tpu.memref_slice %arg4[%dma_wait3A_84, %mul3A_2, %dma_wait3A_90] : memref<50x4096x128xf32, #tpu.memory_space<hbm>> -> memref<1x64x128xf32, #tpu.memory_space<hbm>>
    %dma_wait3A_92 = tpu.memref_squeeze %dma_wait3A_91 : memref<1x64x128xf32, #tpu.memory_space<hbm>> -> memref<64x128xf32, #tpu.memory_space<hbm>>
    %dma_wait3A_93 = tpu.memref_slice %arg8[%dma_wait3A_85] : memref<10x!tpu.dma_semaphore, #tpu.memory_space<semaphore_mem>> -> memref<1x!tpu.dma_semaphore, #tpu.memory_space<semaphore_mem>>
    %dma_wait3A_94 = tpu.memref_squeeze %dma_wait3A_93 : memref<1x!tpu.dma_semaphore, #tpu.memory_space<semaphore_mem>> -> memref<!tpu.dma_semaphore, #tpu.memory_space<semaphore_mem>>
    %dma_wait3A_95 = arith.constant 0 : i32
    %dma_wait3A_96 = tpu.memref_slice %arg4[%dma_wait3A_84, %mul3A_2, %dma_wait3A_95] : memref<50x4096x128xf32, #tpu.memory_space<hbm>> -> memref<1x64x128xf32, #tpu.memory_space<hbm>>
    %dma_wait3A_97 = tpu.memref_squeeze %dma_wait3A_96 : memref<1x64x128xf32, #tpu.memory_space<hbm>> -> memref<64x128xf32, #tpu.memory_space<hbm>>
    %dma_wait3A_98 = arith.constant 0 : i32
    %dma_wait3A_99 = arith.constant 0 : i32
    %dma_wait3A_100 = tpu.memref_slice %arg6[%dma_wait3A_83, %dma_wait3A_98, %dma_wait3A_99] : memref<10x64x128xf32, #tpu.memory_space<vmem>> -> memref<1x64x128xf32, #tpu.memory_space<vmem>>
    %dma_wait3A_101 = tpu.memref_squeeze %dma_wait3A_100 : memref<1x64x128xf32, #tpu.memory_space<vmem>> -> memref<64x128xf32, #tpu.memory_space<vmem>>
    tpu.wait_dma2 semaphore(%dma_wait3A_94 : memref<!tpu.dma_semaphore, #tpu.memory_space<semaphore_mem>>) src(%dma_wait3A_101 : memref<64x128xf32, #tpu.memory_space<vmem>>) dst(%dma_wait3A_97 : memref<64x128xf32, #tpu.memory_space<hbm>>)
    %dma_wait3A_102 = arith.constant 5 : i32
    %dma_wait3A_103 = arith.constant 0 : i32
    %dma_wait3A_104 = arith.constant 5 : i32
    %dma_wait3A_105 = arith.constant 0 : i32
    %dma_wait3A_106 = arith.constant 0 : i32
    %dma_wait3A_107 = tpu.memref_slice %arg6[%dma_wait3A_102, %dma_wait3A_105, %dma_wait3A_106] : memref<10x64x128xf32, #tpu.memory_space<vmem>> -> memref<1x64x128xf32, #tpu.memory_space<vmem>>
    %dma_wait3A_108 = tpu.memref_squeeze %dma_wait3A_107 : memref<1x64x128xf32, #tpu.memory_space<vmem>> -> memref<64x128xf32, #tpu.memory_space<vmem>>
    %dma_wait3A_109 = arith.constant 0 : i32
    %dma_wait3A_110 = tpu.memref_slice %arg4[%dma_wait3A_103, %mul3A_2, %dma_wait3A_109] : memref<50x4096x128xf32, #tpu.memory_space<hbm>> -> memref<1x64x128xf32, #tpu.memory_space<hbm>>
    %dma_wait3A_111 = tpu.memref_squeeze %dma_wait3A_110 : memref<1x64x128xf32, #tpu.memory_space<hbm>> -> memref<64x128xf32, #tpu.memory_space<hbm>>
    %dma_wait3A_112 = tpu.memref_slice %arg8[%dma_wait3A_104] : memref<10x!tpu.dma_semaphore, #tpu.memory_space<semaphore_mem>> -> memref<1x!tpu.dma_semaphore, #tpu.memory_space<semaphore_mem>>
    %dma_wait3A_113 = tpu.memref_squeeze %dma_wait3A_112 : memref<1x!tpu.dma_semaphore, #tpu.memory_space<semaphore_mem>> -> memref<!tpu.dma_semaphore, #tpu.memory_space<semaphore_mem>>
    %dma_wait3A_114 = arith.constant 0 : i32
    %dma_wait3A_115 = tpu.memref_slice %arg4[%dma_wait3A_103, %mul3A_2, %dma_wait3A_114] : memref<50x4096x128xf32, #tpu.memory_space<hbm>> -> memref<1x64x128xf32, #tpu.memory_space<hbm>>
    %dma_wait3A_116 = tpu.memref_squeeze %dma_wait3A_115 : memref<1x64x128xf32, #tpu.memory_space<hbm>> -> memref<64x128xf32, #tpu.memory_space<hbm>>
    %dma_wait3A_117 = arith.constant 0 : i32
    %dma_wait3A_118 = arith.constant 0 : i32
    %dma_wait3A_119 = tpu.memref_slice %arg6[%dma_wait3A_102, %dma_wait3A_117, %dma_wait3A_118] : memref<10x64x128xf32, #tpu.memory_space<vmem>> -> memref<1x64x128xf32, #tpu.memory_space<vmem>>
    %dma_wait3A_120 = tpu.memref_squeeze %dma_wait3A_119 : memref<1x64x128xf32, #tpu.memory_space<vmem>> -> memref<64x128xf32, #tpu.memory_space<vmem>>
    tpu.wait_dma2 semaphore(%dma_wait3A_113 : memref<!tpu.dma_semaphore, #tpu.memory_space<semaphore_mem>>) src(%dma_wait3A_120 : memref<64x128xf32, #tpu.memory_space<vmem>>) dst(%dma_wait3A_116 : memref<64x128xf32, #tpu.memory_space<hbm>>)
    %dma_wait3A_121 = arith.constant 6 : i32
    %dma_wait3A_122 = arith.constant 0 : i32
    %dma_wait3A_123 = arith.constant 6 : i32
    %dma_wait3A_124 = arith.constant 0 : i32
    %dma_wait3A_125 = arith.constant 0 : i32
    %dma_wait3A_126 = tpu.memref_slice %arg6[%dma_wait3A_121, %dma_wait3A_124, %dma_wait3A_125] : memref<10x64x128xf32, #tpu.memory_space<vmem>> -> memref<1x64x128xf32, #tpu.memory_space<vmem>>
    %dma_wait3A_127 = tpu.memref_squeeze %dma_wait3A_126 : memref<1x64x128xf32, #tpu.memory_space<vmem>> -> memref<64x128xf32, #tpu.memory_space<vmem>>
    %dma_wait3A_128 = arith.constant 0 : i32
    %dma_wait3A_129 = tpu.memref_slice %arg4[%dma_wait3A_122, %mul3A_2, %dma_wait3A_128] : memref<50x4096x128xf32, #tpu.memory_space<hbm>> -> memref<1x64x128xf32, #tpu.memory_space<hbm>>
    %dma_wait3A_130 = tpu.memref_squeeze %dma_wait3A_129 : memref<1x64x128xf32, #tpu.memory_space<hbm>> -> memref<64x128xf32, #tpu.memory_space<hbm>>
    %dma_wait3A_131 = tpu.memref_slice %arg8[%dma_wait3A_123] : memref<10x!tpu.dma_semaphore, #tpu.memory_space<semaphore_mem>> -> memref<1x!tpu.dma_semaphore, #tpu.memory_space<semaphore_mem>>
    %dma_wait3A_132 = tpu.memref_squeeze %dma_wait3A_131 : memref<1x!tpu.dma_semaphore, #tpu.memory_space<semaphore_mem>> -> memref<!tpu.dma_semaphore, #tpu.memory_space<semaphore_mem>>
    %dma_wait3A_133 = arith.constant 0 : i32
    %dma_wait3A_134 = tpu.memref_slice %arg4[%dma_wait3A_122, %mul3A_2, %dma_wait3A_133] : memref<50x4096x128xf32, #tpu.memory_space<hbm>> -> memref<1x64x128xf32, #tpu.memory_space<hbm>>
    %dma_wait3A_135 = tpu.memref_squeeze %dma_wait3A_134 : memref<1x64x128xf32, #tpu.memory_space<hbm>> -> memref<64x128xf32, #tpu.memory_space<hbm>>
    %dma_wait3A_136 = arith.constant 0 : i32
    %dma_wait3A_137 = arith.constant 0 : i32
    %dma_wait3A_138 = tpu.memref_slice %arg6[%dma_wait3A_121, %dma_wait3A_136, %dma_wait3A_137] : memref<10x64x128xf32, #tpu.memory_space<vmem>> -> memref<1x64x128xf32, #tpu.memory_space<vmem>>
    %dma_wait3A_139 = tpu.memref_squeeze %dma_wait3A_138 : memref<1x64x128xf32, #tpu.memory_space<vmem>> -> memref<64x128xf32, #tpu.memory_space<vmem>>
    tpu.wait_dma2 semaphore(%dma_wait3A_132 : memref<!tpu.dma_semaphore, #tpu.memory_space<semaphore_mem>>) src(%dma_wait3A_139 : memref<64x128xf32, #tpu.memory_space<vmem>>) dst(%dma_wait3A_135 : memref<64x128xf32, #tpu.memory_space<hbm>>)
    %dma_wait3A_140 = arith.constant 7 : i32
    %dma_wait3A_141 = arith.constant 0 : i32
    %dma_wait3A_142 = arith.constant 7 : i32
    %dma_wait3A_143 = arith.constant 0 : i32
    %dma_wait3A_144 = arith.constant 0 : i32
    %dma_wait3A_145 = tpu.memref_slice %arg6[%dma_wait3A_140, %dma_wait3A_143, %dma_wait3A_144] : memref<10x64x128xf32, #tpu.memory_space<vmem>> -> memref<1x64x128xf32, #tpu.memory_space<vmem>>
    %dma_wait3A_146 = tpu.memref_squeeze %dma_wait3A_145 : memref<1x64x128xf32, #tpu.memory_space<vmem>> -> memref<64x128xf32, #tpu.memory_space<vmem>>
    %dma_wait3A_147 = arith.constant 0 : i32
    %dma_wait3A_148 = tpu.memref_slice %arg4[%dma_wait3A_141, %mul3A_2, %dma_wait3A_147] : memref<50x4096x128xf32, #tpu.memory_space<hbm>> -> memref<1x64x128xf32, #tpu.memory_space<hbm>>
    %dma_wait3A_149 = tpu.memref_squeeze %dma_wait3A_148 : memref<1x64x128xf32, #tpu.memory_space<hbm>> -> memref<64x128xf32, #tpu.memory_space<hbm>>
    %dma_wait3A_150 = tpu.memref_slice %arg8[%dma_wait3A_142] : memref<10x!tpu.dma_semaphore, #tpu.memory_space<semaphore_mem>> -> memref<1x!tpu.dma_semaphore, #tpu.memory_space<semaphore_mem>>
    %dma_wait3A_151 = tpu.memref_squeeze %dma_wait3A_150 : memref<1x!tpu.dma_semaphore, #tpu.memory_space<semaphore_mem>> -> memref<!tpu.dma_semaphore, #tpu.memory_space<semaphore_mem>>
    %dma_wait3A_152 = arith.constant 0 : i32
    %dma_wait3A_153 = tpu.memref_slice %arg4[%dma_wait3A_141, %mul3A_2, %dma_wait3A_152] : memref<50x4096x128xf32, #tpu.memory_space<hbm>> -> memref<1x64x128xf32, #tpu.memory_space<hbm>>
    %dma_wait3A_154 = tpu.memref_squeeze %dma_wait3A_153 : memref<1x64x128xf32, #tpu.memory_space<hbm>> -> memref<64x128xf32, #tpu.memory_space<hbm>>
    %dma_wait3A_155 = arith.constant 0 : i32
    %dma_wait3A_156 = arith.constant 0 : i32
    %dma_wait3A_157 = tpu.memref_slice %arg6[%dma_wait3A_140, %dma_wait3A_155, %dma_wait3A_156] : memref<10x64x128xf32, #tpu.memory_space<vmem>> -> memref<1x64x128xf32, #tpu.memory_space<vmem>>
    %dma_wait3A_158 = tpu.memref_squeeze %dma_wait3A_157 : memref<1x64x128xf32, #tpu.memory_space<vmem>> -> memref<64x128xf32, #tpu.memory_space<vmem>>
    tpu.wait_dma2 semaphore(%dma_wait3A_151 : memref<!tpu.dma_semaphore, #tpu.memory_space<semaphore_mem>>) src(%dma_wait3A_158 : memref<64x128xf32, #tpu.memory_space<vmem>>) dst(%dma_wait3A_154 : memref<64x128xf32, #tpu.memory_space<hbm>>)
    %dma_wait3A_159 = arith.constant 8 : i32
    %dma_wait3A_160 = arith.constant 0 : i32
    %dma_wait3A_161 = arith.constant 8 : i32
    %dma_wait3A_162 = arith.constant 0 : i32
    %dma_wait3A_163 = arith.constant 0 : i32
    %dma_wait3A_164 = tpu.memref_slice %arg6[%dma_wait3A_159, %dma_wait3A_162, %dma_wait3A_163] : memref<10x64x128xf32, #tpu.memory_space<vmem>> -> memref<1x64x128xf32, #tpu.memory_space<vmem>>
    %dma_wait3A_165 = tpu.memref_squeeze %dma_wait3A_164 : memref<1x64x128xf32, #tpu.memory_space<vmem>> -> memref<64x128xf32, #tpu.memory_space<vmem>>
    %dma_wait3A_166 = arith.constant 0 : i32
    %dma_wait3A_167 = tpu.memref_slice %arg4[%dma_wait3A_160, %mul3A_2, %dma_wait3A_166] : memref<50x4096x128xf32, #tpu.memory_space<hbm>> -> memref<1x64x128xf32, #tpu.memory_space<hbm>>
    %dma_wait3A_168 = tpu.memref_squeeze %dma_wait3A_167 : memref<1x64x128xf32, #tpu.memory_space<hbm>> -> memref<64x128xf32, #tpu.memory_space<hbm>>
    %dma_wait3A_169 = tpu.memref_slice %arg8[%dma_wait3A_161] : memref<10x!tpu.dma_semaphore, #tpu.memory_space<semaphore_mem>> -> memref<1x!tpu.dma_semaphore, #tpu.memory_space<semaphore_mem>>
    %dma_wait3A_170 = tpu.memref_squeeze %dma_wait3A_169 : memref<1x!tpu.dma_semaphore, #tpu.memory_space<semaphore_mem>> -> memref<!tpu.dma_semaphore, #tpu.memory_space<semaphore_mem>>
    %dma_wait3A_171 = arith.constant 0 : i32
    %dma_wait3A_172 = tpu.memref_slice %arg4[%dma_wait3A_160, %mul3A_2, %dma_wait3A_171] : memref<50x4096x128xf32, #tpu.memory_space<hbm>> -> memref<1x64x128xf32, #tpu.memory_space<hbm>>
    %dma_wait3A_173 = tpu.memref_squeeze %dma_wait3A_172 : memref<1x64x128xf32, #tpu.memory_space<hbm>> -> memref<64x128xf32, #tpu.memory_space<hbm>>
    %dma_wait3A_174 = arith.constant 0 : i32
    %dma_wait3A_175 = arith.constant 0 : i32
    %dma_wait3A_176 = tpu.memref_slice %arg6[%dma_wait3A_159, %dma_wait3A_174, %dma_wait3A_175] : memref<10x64x128xf32, #tpu.memory_space<vmem>> -> memref<1x64x128xf32, #tpu.memory_space<vmem>>
    %dma_wait3A_177 = tpu.memref_squeeze %dma_wait3A_176 : memref<1x64x128xf32, #tpu.memory_space<vmem>> -> memref<64x128xf32, #tpu.memory_space<vmem>>
    tpu.wait_dma2 semaphore(%dma_wait3A_170 : memref<!tpu.dma_semaphore, #tpu.memory_space<semaphore_mem>>) src(%dma_wait3A_177 : memref<64x128xf32, #tpu.memory_space<vmem>>) dst(%dma_wait3A_173 : memref<64x128xf32, #tpu.memory_space<hbm>>)
    %dma_wait3A_178 = arith.constant 9 : i32
    %dma_wait3A_179 = arith.constant 0 : i32
    %dma_wait3A_180 = arith.constant 9 : i32
    %dma_wait3A_181 = arith.constant 0 : i32
    %dma_wait3A_182 = arith.constant 0 : i32
    %dma_wait3A_183 = tpu.memref_slice %arg6[%dma_wait3A_178, %dma_wait3A_181, %dma_wait3A_182] : memref<10x64x128xf32, #tpu.memory_space<vmem>> -> memref<1x64x128xf32, #tpu.memory_space<vmem>>
    %dma_wait3A_184 = tpu.memref_squeeze %dma_wait3A_183 : memref<1x64x128xf32, #tpu.memory_space<vmem>> -> memref<64x128xf32, #tpu.memory_space<vmem>>
    %dma_wait3A_185 = arith.constant 0 : i32
    %dma_wait3A_186 = tpu.memref_slice %arg4[%dma_wait3A_179, %mul3A_2, %dma_wait3A_185] : memref<50x4096x128xf32, #tpu.memory_space<hbm>> -> memref<1x64x128xf32, #tpu.memory_space<hbm>>
    %dma_wait3A_187 = tpu.memref_squeeze %dma_wait3A_186 : memref<1x64x128xf32, #tpu.memory_space<hbm>> -> memref<64x128xf32, #tpu.memory_space<hbm>>
    %dma_wait3A_188 = tpu.memref_slice %arg8[%dma_wait3A_180] : memref<10x!tpu.dma_semaphore, #tpu.memory_space<semaphore_mem>> -> memref<1x!tpu.dma_semaphore, #tpu.memory_space<semaphore_mem>>
    %dma_wait3A_189 = tpu.memref_squeeze %dma_wait3A_188 : memref<1x!tpu.dma_semaphore, #tpu.memory_space<semaphore_mem>> -> memref<!tpu.dma_semaphore, #tpu.memory_space<semaphore_mem>>
    %dma_wait3A_190 = arith.constant 0 : i32
    %dma_wait3A_191 = tpu.memref_slice %arg4[%dma_wait3A_179, %mul3A_2, %dma_wait3A_190] : memref<50x4096x128xf32, #tpu.memory_space<hbm>> -> memref<1x64x128xf32, #tpu.memory_space<hbm>>
    %dma_wait3A_192 = tpu.memref_squeeze %dma_wait3A_191 : memref<1x64x128xf32, #tpu.memory_space<hbm>> -> memref<64x128xf32, #tpu.memory_space<hbm>>
    %dma_wait3A_193 = arith.constant 0 : i32
    %dma_wait3A_194 = arith.constant 0 : i32
    %dma_wait3A_195 = tpu.memref_slice %arg6[%dma_wait3A_178, %dma_wait3A_193, %dma_wait3A_194] : memref<10x64x128xf32, #tpu.memory_space<vmem>> -> memref<1x64x128xf32, #tpu.memory_space<vmem>>
    %dma_wait3A_196 = tpu.memref_squeeze %dma_wait3A_195 : memref<1x64x128xf32, #tpu.memory_space<vmem>> -> memref<64x128xf32, #tpu.memory_space<vmem>>
    tpu.wait_dma2 semaphore(%dma_wait3A_189 : memref<!tpu.dma_semaphore, #tpu.memory_space<semaphore_mem>>) src(%dma_wait3A_196 : memref<64x128xf32, #tpu.memory_space<vmem>>) dst(%dma_wait3A_192 : memref<64x128xf32, #tpu.memory_space<hbm>>)
    return
  }
}

</mosaic_0001>

<sc_bundles>
// kernel: kernel.3.cloned.1.call-start
scs
__scs_entry_jumppad:
0x0: {  	(pc) =	sbr.rel $0x88, $3  }
0x1: {  	(tag) =	ssettag $0x0;
	lr =	simm.s32 $0x1  }
0x2: {  	[smem:$0x3F9F] =	sst lr;
	_ =	strace $0xD0000000  }
0x3: {  	_ = 	snop  }
0x4: {  	_ = 	snop  }
0x5: {  	_ = 	snop  }
0x6: {  	_ = 	snop  }
0x7: {  	_ = 	snop  }
__scs_overlays_trampoline_lowered:
0x8: {  	[smem:$0x3FAE] =	sst s0  }
0x9: {  	[smem:$0x3FAF] =	sst s1  }
0xa: {  	[smem:$0x3FB0] =	sst s2  }
0xb: {  	[smem:$0x3FB1] =	sst s3  }
0xc: {  	[smem:$0x3FB2] =	sst s4  }
0xd: {  	[smem:$0x3FB3] =	sst s5  }
0xe: {  	[smem:$0x3FB4] =	sst s6  }
0xf: {  	[smem:$0x3FB5] =	sst s7  }
0x10: {  	[smem:$0x3FB6] =	sst s8  }
0x11: {  	[smem:$0x3FB7] =	sst s9;
	s0 =	simm.s32 @!p0 $0x0  }
0x12: {  	s1 =	sld [smem:$0x3F9D];
	s0 =	simm.s32 @p0 $0x1  }
0x13: {  	[smem:$0x3FB8] =	sst s0;
	s0 =	simm.s32 @!p1 $0x0  }
0x14: {  	s2 =	sld [smem:$0x3F9C];
	s0 =	simm.s32 @p1 $0x1  }
0x15: {  	[smem:$0x3FB9] =	sst s0;
	s0 =	simm.s32 @!p2 $0x0  }
0x16: {  	s3 =	sld [smem:$0x3FDB];
	s0 =	simm.s32 @p2 $0x1  }
0x17: {  	s4 =	simm.s32 $0x1BF5;
	[smem:$0x3FBB] =	sst s0  }
0x18: {  	s0 =	sld [smem:$0x3F9E];
	_ =	swait.ge [sflag:s4], $0x0  }
0x19: {  	s7 =	sld [smem:$0x3F9F]  }
0x1a: {  	s8 =	sadd.s32 $0xFFFFE003, lr  }
0x1b: {  	s9 =	sadd.s32 $0xFFFFFEF7, lr;
	s5 =	simm.s32 $0xFFFFFFFF;
	p2 =	slt.u32 s8, $0xFFFFF086  }
0x1c: {  	p1 =	slt.u32 s9, $0xF7A;
	s5 =	simm.s32 @!p2 $0x0  }
0x1d: {  	s5 =	simm.s32 @p1 $0x1;
	p0 =	seq.s32 s7, s2  }
0x1e: {  	s7 =	smul.u32 @!p0 $0xF7A, s2;
	p2 =	seq.s32 @!p0 s5, $0x0  }
0x1f: {  	s9 =	smul.u32 $0xF7A, s1;
	s8 =	simm.s32 @!p0 $0x1BF5;
	p2 =	por !p2, p0  }
0x20: {  	[sflag:s8] =	ssyncset.s32 @!p0 $0xFFFFF086;
	s6 =	sadd.s32 @!p0 s3, s7;
	s7 =	simm.s32 @!p0 $0x108  }
0x21: {  	s3 =	sadd.s32 s3, s9;
	s6 =	sadd.s32 @!p0 $0x88, s6;
	s7 =	simm.s32 @p2 $0x1082  }
0x22: {  	[simem:s7], [sflag:s8] =	dma.local @!p0 [hbm:s6], $0xF7A  }
0x23: {  	s9 =	sor.u32 $0xD0000000, s2;
	s6 =	simm.s32 $0x108;
	_ =	swait.ge @!p0 [sflag:s8], $0x0  }
0x24: {  	s3 =	sadd.s32 $0x88, s3;
	s6 =	simm.s32 @!p1 $0x1082;
	[sflag:s4] =	ssyncset.s32 $0xFFFFF086  }
0x25: {  	[simem:s6], [sflag:s4] =	dma.local [hbm:s3], $0xF7A  }
0x26: {  	[smem:$0x3F9F] =	sst s1;
	(tag) =	ssettag s2;
	_ =	strace s9  }
0x27: {  	s1 =	sld [smem:$0x3FAF]  }
0x28: {  	s2 =	sld [smem:$0x3FB0]  }
0x29: {  	s4 =	sld [smem:$0x3FB2]  }
0x2a: {  	p0 =	seq.s32 s5, $0x0;
	s5 =	sld [smem:$0x3FB3]  }
0x2b: {  	s6 =	sld [smem:$0x3FB4]  }
0x2c: {  	s7 =	sld [smem:$0x3FB5]  }
0x2d: {  	s3 =	simm.s32 $0x108;
	s8 =	sld [smem:$0x3FB6]  }
0x2e: {  	s3 =	simm.s32 @!p0 $0x1082;
	s9 =	sld [smem:$0x3FB7]  }
0x2f: {  	lr =	sadd.s32 s0, s3;
	s0 =	sld [smem:$0x3FAE]  }
0x30: {  	s3 =	sld [smem:$0x3FB1]  }
0x31: {  	[smem:$0x3FBA] =	sst s10  }
0x32: {  	s10 =	sld [smem:$0x3FB8];
	_ =	sdelay $0x3  }
0x33: {  	p0 =	seq.s32 s10, $0x1;
	s10 =	sld [smem:$0x3FBA];
	_ =	sdelay $0x3  }
0x34: {  	[smem:$0x3FBA] =	sst s10  }
0x35: {  	s10 =	sld [smem:$0x3FB9];
	_ =	sdelay $0x3  }
0x36: {  	p1 =	seq.s32 s10, $0x1;
	s10 =	sld [smem:$0x3FBA];
	_ =	sdelay $0x3  }
0x37: {  	[smem:$0x3FBA] =	sst s10  }
0x38: {  	s10 =	sld [smem:$0x3FBB]  }
0x39: {  	_ = 	snop;
	(pc) =	sbr.ind lr, $3  }
0x3a: {  	_ = 	snop  }
0x3b: {  	_ = 	snop  }
0x3c: {  	p2 =	seq.s32 s10, $0x1;
	s10 =	sld [smem:$0x3FBA]  }
0x3d: {  	_ =	shalt  }
0x3e: {  	_ =	shalt  }
0x3f: {  	_ =	shalt  }
0x40: {  	_ =	shalt  }
0x41: {  	_ =	shalt  }
0x42: {  	_ =	shalt  }
0x43: {  	_ =	shalt  }
0x44: {  	_ =	shalt  }
0x45: {  	_ =	shalt  }
0x46: {  	_ =	shalt  }
0x47: {  	_ =	shalt  }
0x48: {  	_ =	shalt  }
0x49: {  	_ =	shalt  }
0x4a: {  	_ =	shalt  }
0x4b: {  	_ =	shalt  }
0x4c: {  	_ =	shalt  }
0x4d: {  	_ =	shalt  }
0x4e: {  	_ =	shalt  }
0x4f: {  	_ =	shalt  }
0x50: {  	_ =	shalt  }
0x51: {  	_ =	shalt  }
0x52: {  	_ =	shalt  }
0x53: {  	_ =	shalt  }
0x54: {  	_ =	shalt  }
0x55: {  	_ =	shalt  }
0x56: {  	_ =	shalt  }
0x57: {  	_ =	shalt  }
0x58: {  	_ =	shalt  }
0x59: {  	_ =	shalt  }
0x5a: {  	_ =	shalt  }
0x5b: {  	_ =	shalt  }
0x5c: {  	_ =	shalt  }
0x5d: {  	_ =	shalt  }
0x5e: {  	_ =	shalt  }
0x5f: {  	_ =	shalt  }
0x60: {  	_ =	shalt  }
0x61: {  	_ =	shalt  }
0x62: {  	_ =	shalt  }
0x63: {  	_ =	shalt  }
0x64: {  	_ =	shalt  }
0x65: {  	_ =	shalt  }
0x66: {  	_ =	shalt  }
0x67: {  	_ =	shalt  }
0x68: {  	_ =	shalt  }
0x69: {  	_ =	shalt  }
0x6a: {  	_ =	shalt  }
0x6b: {  	_ =	shalt  }
0x6c: {  	_ =	shalt  }
0x6d: {  	_ =	shalt  }
0x6e: {  	_ =	shalt  }
0x6f: {  	_ =	shalt  }
0x70: {  	_ =	shalt  }
0x71: {  	_ =	shalt  }
0x72: {  	_ =	shalt  }
0x73: {  	_ =	shalt  }
0x74: {  	_ =	shalt  }
0x75: {  	_ =	shalt  }
0x76: {  	_ =	shalt  }
0x77: {  	_ =	shalt  }
0x78: {  	_ =	shalt  }
0x79: {  	_ =	shalt  }
0x7a: {  	_ =	shalt  }
0x7b: {  	_ =	shalt  }
0x7c: {  	_ =	shalt  }
0x7d: {  	_ =	shalt  }
0x7e: {  	_ =	shalt  }
0x7f: {  	_ =	shalt  }
0x80: {  	_ =	shalt  }
0x81: {  	_ =	shalt  }
0x82: {  	_ =	shalt  }
0x83: {  	_ =	shalt  }
0x84: {  	_ =	shalt  }
0x85: {  	_ =	shalt  }
0x86: {  	_ =	shalt  }
0x87: {  	_ =	shalt  }
.Lfunc_end0:
.L_simem_size_0:
called_computation_lowered:
.L_overlay_start_0:
0x88: {  	s2 =	sld [smem:$0x3FD9]  }
0x89: {  	s3 =	sld [smem:$0x3FFE];
	_ =	sdelay $0x1  }
0x8a: {  	s1 =	srdreg.scid  }
0x8b: {  	s0 =	sand.u32 $0x1, s1  }
0x8c: {  	s18 =	sshll.u32 s0, $0xA;
	s2 =	sadd.s32 s3, s2  }
0x8d: {  	s2 =	sadd.s32 s2, s18  }
0x8e: {  	[smem:$0x3FC6] =	sst s2  }
0x8f: {  	_ = 	snop  }
0x90: {  	s2 =	sld [smem:$0x3FC9]  }
0x91: {  	s19 =	sld [smem:$0x3FC8]  }
0x92: {  	s4 =	sld [smem:$0x3FD0];
	(tm) =	ssettm $0x1  }
0x93: {  	s5 =	sld [smem:$0x3FFB];
	_ =	sdelay $0x3  }
0x94: {  	_ =	strace s5  }
0x95: {  	s5 =	sld [smem:$0x3FFC];
	_ =	sdelay $0x3  }
0x96: {  	_ =	strace s5  }
0x97: {  	s5 =	sld [smem:$0x3FFD];
	_ =	sdelay $0x3  }
0x98: {  	_ =	strace s5  }
0x99: {  	_ =	strace $0x8FFFFFFF  }
0x9a: {  	s20 =	sld [smem:$0x3FDB];
	_ =	sdelay $0x1  }
0x9b: {  	s6 =	simm.s32 $_scs_section_size  }
0x9c: {  	s7 =	simm.s32 $_size__tile_overlayer_lowered;
	s8 =	simm.s32 $_tile_overlayer_lowered  }
0x9d: {  	s23 =	simm.s32 $0x1BFF;
	s22 =	sshll.u32 s8, $0x1;
	s5 =	sadd.s32 s6, s20  }
0x9e: {  	s9 =	simm.s32 $0x0;
	s21 =	sshll.u32 s7, $0x1;
	s7 =	sadd.s32 s22, s5  }
0x9f: {  	[timem:s9], [sflag:s23] =	dma.local [hbm:s7], s21  }
0xa0: {  	_ =	swait.ge [sflag:s23], s21  }
0xa1: {  	s6 =	ssub.s32 $0x0, s21;
	[sflag:s23] =	ssyncset.done $0x0  }
0xa2: {  	[sflag:s23] =	ssyncadd.s32 s6;
	_ =	sdelay $0x1  }
0xa3: {  	s24 =	simm.s32 $0x1B8B  }
0xa4: {  	_ =	swait.ge [sflag:s24], $0x1  }
0xa5: {  	[sflag:s24] =	ssyncset.done $0x0  }
0xa6: {  	s25 =	simm.s32 $0x1B8E;
	[sflag:s24] =	ssyncadd.s32 $0xFFFFFFFF  }
0xa7: {  	s26 =	simm.s32 $execute0_lowered;
	[smem:$0x3FD2] =	sst s25  }
0xa8: {  	s6 =	sshll.u32 s26, $0x1;
	_ =	strace $0x80000046;
	[dreg:$0x1] =	wrdreg $0xFFFFFFFF  }
0xa9: {  	s28 =	simm.s32 $_size_execute0_lowered;
	s5 =	sadd.s32 s5, s6;
	[dreg:$0x0] =	wrdreg $0x0  }
0xaa: {  	s6 =	sshll.u32 s28, $0x1;
	[dreg:$0x2] =	wrdreg s5  }
0xab: {  	[dreg:$0x3] =	wrdreg s6  }
0xac: {  	[dreg:$0x4] =	wrdreg $0xC0  }
0xad: {  	_ =	task [dreg:s9], $0x5FFFF  }
0xae: {  	[dreg:$0x1] =	wrdreg $0xFFFFFFFF  }
0xaf: {  	[dreg:$0x0] =	wrdreg $0x60  }
0xb0: {  	[dreg:$0x2] =	wrdreg s2  }
0xb1: {  	[dreg:$0x3] =	wrdreg s19  }
0xb2: {  	[dreg:$0x4] =	wrdreg s4  }
0xb3: {  	[dreg:$0x5] =	wrdreg $0x9  }
0xb4: {  	_ =	task.clear_ibuf [dreg:s9], $0x6FFFF;
	_ =	strace $0x90000046  }
0xb5: {  	s29 =	simm.s32 $0x9;
	_ =	strace $0x80000048  }
0xb6: {  	_ =	swait.ge [sflag:s29], $0x1  }
0xb7: {  	[sflag:s29] =	ssyncadd.s32 $0xFFFFFFFF  }
0xb8: {  	_ =	strace $0x90000048  }
0xb9: {  	_ =	sfence  }
0xba: {  	s30 =	sld [smem:$0x0];
	_ =	sdelay $0x2  }
0xbb: {  	s31 =	sshll.u32 s1, $0xD;
	s1 =	sshrl.u32 s1, $0x2  }
0xbc: {  	s3 =	sand.u32 $0x4000, s31;
	s1 =	sadd.s32 s1, s30  }
0xbd: {  	s0 =	sor.u32 s3, s0;
	s1 =	sshll.u32 s1, $0x11  }
0xbe: {  	s0 =	sor.u32 s1, s0  }
0xbf: {  	s0 =	sadd.s32 $0x8F2B, s0  }
0xc0: {  	[sflag:s0] =	ssyncadd.remote.s32 $0x1  }
0xc1: {  	_ =	sfence.sel $0xFFFF  }
0xc2: {  	[dreg:$0x0] =	wrdreg $0xFFFFFFFF;
	(pc) =	sbr.abs _section_cstart, $3  }
0xc3: {  	[dreg:$0x1] =	wrdreg $0xFFFFFFFF  }
0xc4: {  	_ =	task.clear_ibuf [dreg:s9], $0x2FFFF;
	_ =	strace $0x9FFFFFFF  }
0xc5: {  	(tm) =	ssettm $0x7FFFFFFF  }
tec
execute0_lowered:
.L_overlay_start_1:
0x0: {  	(tag) =	ssettag $0x1  }
0x1: {  	s0 =	rddreg [dreg:$0x0]  }
0x2: {  	s2 =	rddreg [dreg:$0x1]  }
0x3: {  	s1 =	rddreg [dreg:$0x2]  }
0x4: {  	s3 =	srdreg.scid;
	s9 =	stileid.u32;
	s28 =	simm.s32 $0x6  }
0x5: {  	s29 =	simm.s32 $0x7;
	s30 =	simm.s32 $0x8;
	s31 =	simm.s32 $0x9  }
0x6: {  	s4 =	sand.u32 $0x1, s3;
	s3 =	simm.s32 $0x0;
	s5 =	sshll.u32 s9, $0xF  }
0x7: {  	s9 =	sshll.u32 s9, $0x8;
	s6 =	sshll.u32 s4, $0xE;
	[smem:$0x7FF] =	sst s3  }
0x8: {  	s7 =	ssub.s32 $0x2, s4;
	s4 =	sshll.u32 s4, $0x7;
	s5 =	sor.u32 s6, s5  }
0x9: {  	_ =	strace $0x80000047;
	s22 =	sshrl.u32 s7, $0x1;
	s4 =	sor.u32 s4, s9  }
0xa: {  	s8 =	sor.u32 $0x2000, s5;
	s6 =	ssub.s32 s7, s22;
	s24 =	sshrl.u32 s5, $0x3  }
0xb: {  	s25 =	sor.u32 $0x202000, s5;
	s26 =	sor.u32 $0x200000, s5;
	s13 =	sor.u32 $0x182000, s5  }
0xc: {  	s15 =	sor.u32 $0x180000, s5;
	s16 =	sor.u32 $0x102000, s5;
	s20 =	sor.u32 $0x100000, s5  }
0xd: {  	s22 =	sor.u32 $0x82000, s5;
	s5 =	sor.u32 $0x80000, s5;
	s4 =	sadd.s32 s0, s4  }
0xe: {  	s0 =	simm.s32 $0xA;
	s8 =	sshrl.u32 s8, $0x3;
	s7 =	sadd.s32 s24, s1  }
0xf: {  	s11 =	sshrl.u32 s26, $0x3;
	s14 =	sshrl.u32 s13, $0x3;
	s18 =	sshrl.u32 s16, $0x3  }
0x10: {  	s21 =	sshrl.u32 s20, $0x3;
	s5 =	sshrl.u32 s5, $0x3;
	[dreg:$0xe] =	wrdreg s4  }
0x11: {  	s26 =	smax.u32 s6, $0x1;
	s13 =	simm.s32 $0x3C00;
	s16 =	simm.s32 $0x9C00  }
0x12: {  	s20 =	simm.s32 $0x11C00;
	s23 =	sadd.s32 s8, s1;
	[dreg:$0x5] =	wrdreg s7  }
0x13: {  	s8 =	sshrl.u32 s25, $0x3;
	s12 =	sadd.s32 s11, s1;
	[dreg:$0x10] =	wrdreg s26  }
0x14: {  	s7 =	sadd.s32 s14, s1;
	s19 =	sadd.s32 s18, s1;
	[dreg:$0x4] =	wrdreg s23  }
0x15: {  	s24 =	sadd.s32 s5, s1;
	s25 =	sadd.s32 $0x6000, s4;
	[dreg:$0x7] =	wrdreg s12  }
0x16: {  	s11 =	simm.s32 $0x40;
	s14 =	simm.s32 $0x5C00;
	[dreg:$0x8] =	wrdreg s7  }
0x17: {  	s18 =	simm.s32 $0xDC00;
	s26 =	simm.s32 $0x5;
	[dreg:$0xa] =	wrdreg s19  }
0x18: {  	s10 =	sadd.s32 s8, s1;
	s8 =	sshrl.u32 s15, $0x3;
	[dreg:$0xf] =	wrdreg s25  }
0x19: {  	s7 =	sadd.s32 s21, s1;
	[dreg:$0xd] =	wrdreg s24;
	s12 =	simm.s32 $0x1C00  }
0x1a: {  	s15 =	simm.s32 $0x7C00;
	s19 =	simm.s32 $0xFC00;
	s21 =	simm.s32 $0x13C00  }
0x1b: {  	s24 =	simm.s32 $0x3;
	s25 =	simm.s32 $0x4;
	[dreg:$0x6] =	wrdreg s10  }
0x1c: {  	s17 =	sadd.s32 s8, s1;
	s8 =	sshrl.u32 s22, $0x3;
	[dreg:$0xb] =	wrdreg s7  }
0x1d: {  	s22 =	simm.s32 $0x1;
	s7 =	simm.s32 $0x14;
	[dreg:$0x9] =	wrdreg s17  }
0x1e: {  	s23 =	sadd.s32 s8, s1;
	s17 =	simm.s32 $0xBC00;
	s1 =	simm.s32 $0x13  }
0x1f: {  	s8 =	simm.s32 $0x0;
	[dreg:$0xc] =	wrdreg s23;
	s23 =	simm.s32 $0x2  }
.LBB2_1:
0x20: {  	s4 =	rddreg [dreg:$0xe];
	s5 =	simm.s32 $0x400;
	s6 =	simm.s32 $0x8000  }
0x21: {  	[tilespmem:s3], [sflag:$0x15] =	stream.strided.gather [hbm4b:s4+s5], $0x1800, s6, s5, $0x38;
	[tilespmem:$0x15C00] =	vst v63  }
0x22: {  	s9 =	simm.s32 $0x1800;
	s10 =	simm.s32 $0x15;
	s6 =	rddreg [dreg:$0xf]  }
0x23: {  	[tilespmem:s9], [sflag:$0x15] =	stream.linear.gather [hbm4b:s6+s3], $0x100, $0x38;
	[tilespmem:$0x15C00] =	vst v63  }
0x24: {  	p0 =	por $0x1, $0x1;
	_ =	swait.ge [sflag:s10], $0x1900  }
0x25: {  	p0 =	por p0, p0;
	[sflag:s10] =	ssyncset.done $0x0  }
0x26: {  	s4 =	simm.s32 @!p0 $0xB;
	[sflag:s10] =	ssyncadd.s32 $0xFFFFE700  }
0x27: {  	_ =	swait.ge @!p0 [sflag:s4], $0x2000  }
0x28: {  	[sflag:s4] =	ssyncset.done @!p0 $0x0  }
0x29: {  	[sflag:s4] =	ssyncadd.s32 @!p0 $0xFFFFE000;
	s4 =	simm.s32 @!p0 $0xC  }
0x2a: {  	_ =	swait.ge @!p0 [sflag:s4], $0x2000  }
0x2b: {  	[sflag:s4] =	ssyncset.done @!p0 $0x0  }
0x2c: {  	[sflag:s4] =	ssyncadd.s32 @!p0 $0xFFFFE000;
	s4 =	simm.s32 @!p0 $0xD  }
0x2d: {  	_ =	swait.ge @!p0 [sflag:s4], $0x2000  }
0x2e: {  	[sflag:s4] =	ssyncset.done @!p0 $0x0  }
0x2f: {  	[sflag:s4] =	ssyncadd.s32 @!p0 $0xFFFFE000;
	s4 =	simm.s32 @!p0 $0xE  }
0x30: {  	_ =	swait.ge @!p0 [sflag:s4], $0x2000  }
0x31: {  	[sflag:s4] =	ssyncset.done @!p0 $0x0  }
0x32: {  	[sflag:s4] =	ssyncadd.s32 @!p0 $0xFFFFE000;
	s4 =	simm.s32 @!p0 $0xF  }
0x33: {  	_ =	swait.ge @!p0 [sflag:s4], $0x2000  }
0x34: {  	[sflag:s4] =	ssyncset.done @!p0 $0x0  }
0x35: {  	[sflag:s4] =	ssyncadd.s32 @!p0 $0xFFFFE000;
	s4 =	simm.s32 @!p0 $0x10  }
0x36: {  	_ =	swait.ge @!p0 [sflag:s4], $0x2000  }
0x37: {  	[sflag:s4] =	ssyncset.done @!p0 $0x0  }
0x38: {  	[sflag:s4] =	ssyncadd.s32 @!p0 $0xFFFFE000;
	s4 =	simm.s32 @!p0 $0x11  }
0x39: {  	_ =	swait.ge @!p0 [sflag:s4], $0x2000  }
0x3a: {  	[sflag:s4] =	ssyncset.done @!p0 $0x0  }
0x3b: {  	[sflag:s4] =	ssyncadd.s32 @!p0 $0xFFFFE000;
	s4 =	simm.s32 @!p0 $0x12  }
0x3c: {  	_ =	swait.ge @!p0 [sflag:s4], $0x2000  }
0x3d: {  	[sflag:s4] =	ssyncset.done @!p0 $0x0  }
0x3e: {  	[sflag:s4] =	ssyncadd.s32 @!p0 $0xFFFFE000;
	s4 =	simm.s32 @!p0 $0x13  }
0x3f: {  	_ =	swait.ge @!p0 [sflag:s4], $0x2000  }
0x40: {  	[sflag:s4] =	ssyncset.done @!p0 $0x0  }
0x41: {  	[sflag:s4] =	ssyncadd.s32 @!p0 $0xFFFFE000;
	s4 =	simm.s32 @!p0 $0x14  }
0x42: {  	_ =	swait.ge @!p0 [sflag:s4], $0x2000  }
0x43: {  	[sflag:s4] =	ssyncset.done @!p0 $0x0  }
0x44: {  	s5 =	simm.s32 $0x0;
	[sflag:s4] =	ssyncadd.s32 @!p0 $0xFFFFE000  }
0x45: {  	[tilespmem:s12], [sflag:$0x1] =	stream.indirect.gather [hbm4b:s2+s11], $0x80, s5, s11, $0xb8;
	[tilespmem:$0x15C00] =	vst v63  }
0x46: {  	s6 =	simm.s32 $0x40  }
0x47: {  	[tilespmem:s13], [sflag:$0x2] =	stream.indirect.gather [hbm4b:s2+s11], $0x80, s6, s11, $0xb8;
	[tilespmem:$0x15C00] =	vst v63  }
0x48: {  	s9 =	simm.s32 $0x80  }
0x49: {  	[tilespmem:s14], [sflag:$0x3] =	stream.indirect.gather [hbm4b:s2+s11], $0x80, s9, s11, $0xb8;
	[tilespmem:$0x15C00] =	vst v63  }
0x4a: {  	s10 =	simm.s32 $0xC0  }
0x4b: {  	[tilespmem:s15], [sflag:$0x4] =	stream.indirect.gather [hbm4b:s2+s11], $0x80, s10, s11, $0xb8;
	[tilespmem:$0x15C00] =	vst v63  }
0x4c: {  	s5 =	simm.s32 $0x100  }
0x4d: {  	[tilespmem:s16], [sflag:$0x5] =	stream.indirect.gather [hbm4b:s2+s11], $0x80, s5, s11, $0xb8;
	[tilespmem:$0x15C00] =	vst v63  }
0x4e: {  	s6 =	simm.s32 $0x140  }
0x4f: {  	[tilespmem:s17], [sflag:$0x6] =	stream.indirect.gather [hbm4b:s2+s11], $0x80, s6, s11, $0xb8;
	[tilespmem:$0x15C00] =	vst v63  }
0x50: {  	s9 =	simm.s32 $0x180  }
0x51: {  	[tilespmem:s18], [sflag:$0x7] =	stream.indirect.gather [hbm4b:s2+s11], $0x80, s9, s11, $0xb8;
	[tilespmem:$0x15C00] =	vst v63  }
0x52: {  	s10 =	simm.s32 $0x1C0  }
0x53: {  	[tilespmem:s19], [sflag:$0x8] =	stream.indirect.gather [hbm4b:s2+s11], $0x80, s10, s11, $0xb8;
	[tilespmem:$0x15C00] =	vst v63  }
0x54: {  	s5 =	simm.s32 $0x200  }
0x55: {  	[tilespmem:s20], [sflag:$0x9] =	stream.indirect.gather [hbm4b:s2+s11], $0x80, s5, s11, $0xb8;
	[tilespmem:$0x15C00] =	vst v63  }
0x56: {  	s6 =	simm.s32 $0x240  }
0x57: {  	[tilespmem:s21], [sflag:$0xA] =	stream.indirect.gather [hbm4b:s2+s11], $0x80, s6, s11, $0xb8;
	[tilespmem:$0x15C00] =	vst v63  }
0x58: {  	_ =	swait.ge [sflag:s22], $0x2000  }
0x59: {  	s9 =	rddreg [dreg:$0x5];
	[sflag:s22] =	ssyncset.done $0x0  }
0x5a: {  	[sflag:s22] =	ssyncadd.s32 $0xFFFFE000;
	s4 =	sadd.s32 $0x0, s9  }
0x5b: {  	[hbm4b:s4+s3] =	stream.linear.scatter [tilespmem:s12], [sflag:$0xB], $0x2000, $0x38;
	[tilespmem:$0x15C00] =	vst v63  }
0x5c: {  	_ =	swait.ge [sflag:s23], $0x2000  }
0x5d: {  	s10 =	rddreg [dreg:$0x4];
	[sflag:s23] =	ssyncset.done $0x0  }
0x5e: {  	[sflag:s23] =	ssyncadd.s32 $0xFFFFE000;
	s4 =	sadd.s32 $0x0, s10  }
0x5f: {  	[hbm4b:s4+s3] =	stream.linear.scatter [tilespmem:s13], [sflag:$0xC], $0x2000, $0x38;
	[tilespmem:$0x15C00] =	vst v63  }
0x60: {  	_ =	swait.ge [sflag:s24], $0x2000  }
0x61: {  	s5 =	rddreg [dreg:$0xd];
	[sflag:s24] =	ssyncset.done $0x0  }
0x62: {  	[sflag:s24] =	ssyncadd.s32 $0xFFFFE000;
	s4 =	sadd.s32 $0x0, s5  }
0x63: {  	[hbm4b:s4+s3] =	stream.linear.scatter [tilespmem:s14], [sflag:$0xD], $0x2000, $0x38;
	[tilespmem:$0x15C00] =	vst v63  }
0x64: {  	_ =	swait.ge [sflag:s25], $0x2000  }
0x65: {  	s6 =	rddreg [dreg:$0xc];
	[sflag:s25] =	ssyncset.done $0x0  }
0x66: {  	[sflag:s25] =	ssyncadd.s32 $0xFFFFE000;
	s4 =	sadd.s32 $0x0, s6  }
0x67: {  	[hbm4b:s4+s3] =	stream.linear.scatter [tilespmem:s15], [sflag:$0xE], $0x2000, $0x38;
	[tilespmem:$0x15C00] =	vst v63  }
0x68: {  	_ =	swait.ge [sflag:s26], $0x2000  }
0x69: {  	s9 =	rddreg [dreg:$0xb];
	[sflag:s26] =	ssyncset.done $0x0  }
0x6a: {  	[sflag:s26] =	ssyncadd.s32 $0xFFFFE000;
	s4 =	sadd.s32 $0x0, s9  }
0x6b: {  	[hbm4b:s4+s3] =	stream.linear.scatter [tilespmem:s16], [sflag:$0xF], $0x2000, $0x38;
	[tilespmem:$0x15C00] =	vst v63  }
0x6c: {  	_ =	swait.ge [sflag:s28], $0x2000  }
0x6d: {  	s10 =	rddreg [dreg:$0xa];
	[sflag:s28] =	ssyncset.done $0x0  }
0x6e: {  	[sflag:s28] =	ssyncadd.s32 $0xFFFFE000;
	s4 =	sadd.s32 $0x0, s10  }
0x6f: {  	[hbm4b:s4+s3] =	stream.linear.scatter [tilespmem:s17], [sflag:$0x10], $0x2000, $0x38;
	[tilespmem:$0x15C00] =	vst v63  }
0x70: {  	_ =	swait.ge [sflag:s29], $0x2000  }
0x71: {  	s5 =	rddreg [dreg:$0x9];
	[sflag:s29] =	ssyncset.done $0x0  }
0x72: {  	[sflag:s29] =	ssyncadd.s32 $0xFFFFE000;
	s4 =	sadd.s32 $0x0, s5  }
0x73: {  	[hbm4b:s4+s3] =	stream.linear.scatter [tilespmem:s18], [sflag:$0x11], $0x2000, $0x38;
	[tilespmem:$0x15C00] =	vst v63  }
0x74: {  	_ =	swait.ge [sflag:s30], $0x2000  }
0x75: {  	s6 =	rddreg [dreg:$0x8];
	[sflag:s30] =	ssyncset.done $0x0  }
0x76: {  	[sflag:s30] =	ssyncadd.s32 $0xFFFFE000;
	s4 =	sadd.s32 $0x0, s6  }
0x77: {  	[hbm4b:s4+s3] =	stream.linear.scatter [tilespmem:s19], [sflag:$0x12], $0x2000, $0x38;
	[tilespmem:$0x15C00] =	vst v63  }
0x78: {  	_ =	swait.ge [sflag:s31], $0x2000  }
0x79: {  	s9 =	rddreg [dreg:$0x7];
	[sflag:s31] =	ssyncset.done $0x0  }
0x7a: {  	p6 =	por $0x0, $0x0;
	[sflag:s31] =	ssyncadd.s32 $0xFFFFE000;
	s4 =	sadd.s32 $0x0, s9  }
0x7b: {  	[hbm4b:s4+s3] =	stream.linear.scatter [tilespmem:s20], [sflag:$0x13], $0x2000, $0x38;
	[tilespmem:$0x15C00] =	vst v63  }
0x7c: {  	p0 =	por p6, p6;
	s5 =	simm.s32 $0x4C0;
	_ =	swait.ge [sflag:s0], $0x2000  }
0x7d: {  	s6 =	simm.s32 $0xA0000;
	s10 =	rddreg [dreg:$0x6];
	[sflag:s0] =	ssyncset.done $0x0  }
0x7e: {  	s9 =	simm.s32 $0x50000;
	[sflag:s0] =	ssyncadd.s32 $0xFFFFE000;
	s10 =	sadd.s32 $0x0, s10  }
.LBB2_2:
0x7f: {  	[hbm4b:s10+s3] =	stream.linear.scatter [tilespmem:s21], [sflag:$0x14], $0x2000, $0x38;
	[tilespmem:$0x15C00] =	vst v63  }
0x80: {  	s10 =	simm.s32 @!p0 $0xB  }
0x81: {  	_ =	swait.ge @!p0 [sflag:s10], $0x2000  }
0x82: {  	[sflag:s10] =	ssyncset.done @!p0 $0x0  }
0x83: {  	[sflag:s10] =	ssyncadd.s32 @!p0 $0xFFFFE000;
	s10 =	simm.s32 @!p0 $0xC  }
0x84: {  	_ =	swait.ge @!p0 [sflag:s10], $0x2000  }
0x85: {  	[sflag:s10] =	ssyncset.done @!p0 $0x0  }
0x86: {  	[sflag:s10] =	ssyncadd.s32 @!p0 $0xFFFFE000;
	s10 =	simm.s32 @!p0 $0xD  }
0x87: {  	_ =	swait.ge @!p0 [sflag:s10], $0x2000  }
0x88: {  	[sflag:s10] =	ssyncset.done @!p0 $0x0  }
0x89: {  	[sflag:s10] =	ssyncadd.s32 @!p0 $0xFFFFE000;
	s10 =	simm.s32 @!p0 $0xE  }
0x8a: {  	_ =	swait.ge @!p0 [sflag:s10], $0x2000  }
0x8b: {  	[sflag:s10] =	ssyncset.done @!p0 $0x0  }
0x8c: {  	[sflag:s10] =	ssyncadd.s32 @!p0 $0xFFFFE000;
	s10 =	simm.s32 @!p0 $0xF  }
0x8d: {  	_ =	swait.ge @!p0 [sflag:s10], $0x2000  }
0x8e: {  	[sflag:s10] =	ssyncset.done @!p0 $0x0  }
0x8f: {  	[sflag:s10] =	ssyncadd.s32 @!p0 $0xFFFFE000;
	s10 =	simm.s32 @!p0 $0x10  }
0x90: {  	_ =	swait.ge @!p0 [sflag:s10], $0x2000  }
0x91: {  	[sflag:s10] =	ssyncset.done @!p0 $0x0  }
0x92: {  	[sflag:s10] =	ssyncadd.s32 @!p0 $0xFFFFE000;
	s10 =	simm.s32 @!p0 $0x11  }
0x93: {  	_ =	swait.ge @!p0 [sflag:s10], $0x2000  }
0x94: {  	[sflag:s10] =	ssyncset.done @!p0 $0x0  }
0x95: {  	[sflag:s10] =	ssyncadd.s32 @!p0 $0xFFFFE000;
	s10 =	simm.s32 @!p0 $0x12  }
0x96: {  	_ =	swait.ge @!p0 [sflag:s10], $0x2000  }
0x97: {  	[sflag:s10] =	ssyncset.done @!p0 $0x0  }
0x98: {  	[sflag:s10] =	ssyncadd.s32 @!p0 $0xFFFFE000;
	s10 =	simm.s32 @!p0 $0x13  }
0x99: {  	_ =	swait.ge @!p0 [sflag:s10], $0x2000  }
0x9a: {  	[sflag:s10] =	ssyncset.done @!p0 $0x0  }
0x9b: {  	[sflag:s10] =	ssyncadd.s32 @!p0 $0xFFFFE000;
	s10 =	simm.s32 @!p0 $0x14  }
0x9c: {  	_ =	swait.ge @!p0 [sflag:s10], $0x2000  }
0x9d: {  	[sflag:s10] =	ssyncset.done @!p0 $0x0  }
0x9e: {  	[sflag:s10] =	ssyncadd.s32 @!p0 $0xFFFFE000;
	s10 =	sadd.s32 $0xFFFFFDC0, s5  }
0x9f: {  	[tilespmem:s12], [sflag:$0x1] =	stream.indirect.gather [hbm4b:s2+s11], $0x80, s10, s11, $0xb8;
	[tilespmem:$0x15C00] =	vst v63  }
0xa0: {  	s10 =	sadd.s32 $0xFFFFFE00, s5  }
0xa1: {  	[tilespmem:s13], [sflag:$0x2] =	stream.indirect.gather [hbm4b:s2+s11], $0x80, s10, s11, $0xb8;
	[tilespmem:$0x15C00] =	vst v63  }
0xa2: {  	s10 =	sadd.s32 $0xFFFFFE40, s5  }
0xa3: {  	[tilespmem:s14], [sflag:$0x3] =	stream.indirect.gather [hbm4b:s2+s11], $0x80, s10, s11, $0xb8;
	[tilespmem:$0x15C00] =	vst v63  }
0xa4: {  	s10 =	sadd.s32 $0xFFFFFE80, s5  }
0xa5: {  	[tilespmem:s15], [sflag:$0x4] =	stream.indirect.gather [hbm4b:s2+s11], $0x80, s10, s11, $0xb8;
	[tilespmem:$0x15C00] =	vst v63  }
0xa6: {  	s10 =	sadd.s32 $0xFFFFFEC0, s5  }
0xa7: {  	[tilespmem:s16], [sflag:$0x5] =	stream.indirect.gather [hbm4b:s2+s11], $0x80, s10, s11, $0xb8;
	[tilespmem:$0x15C00] =	vst v63  }
0xa8: {  	s10 =	sadd.s32 $0xFFFFFF00, s5  }
0xa9: {  	[tilespmem:s17], [sflag:$0x6] =	stream.indirect.gather [hbm4b:s2+s11], $0x80, s10, s11, $0xb8;
	[tilespmem:$0x15C00] =	vst v63  }
0xaa: {  	s10 =	sadd.s32 $0xFFFFFF40, s5  }
0xab: {  	[tilespmem:s18], [sflag:$0x7] =	stream.indirect.gather [hbm4b:s2+s11], $0x80, s10, s11, $0xb8;
	[tilespmem:$0x15C00] =	vst v63  }
0xac: {  	s10 =	sadd.s32 $0xFFFFFF80, s5  }
0xad: {  	[tilespmem:s19], [sflag:$0x8] =	stream.indirect.gather [hbm4b:s2+s11], $0x80, s10, s11, $0xb8;
	[tilespmem:$0x15C00] =	vst v63  }
0xae: {  	s10 =	sadd.s32 $0xFFFFFFC0, s5  }
0xaf: {  	[tilespmem:s20], [sflag:$0x9] =	stream.indirect.gather [hbm4b:s2+s11], $0x80, s10, s11, $0xb8;
	[tilespmem:$0x15C00] =	vst v63  }
0xb0: {  	_ = 	snop  }
0xb1: {  	[tilespmem:s21], [sflag:$0xA] =	stream.indirect.gather [hbm4b:s2+s11], $0x80, s5, s11, $0xb8;
	[tilespmem:$0x15C00] =	vst v63  }
0xb2: {  	_ =	swait.ge [sflag:s22], $0x2000  }
0xb3: {  	s10 =	rddreg [dreg:$0x5];
	[sflag:s22] =	ssyncset.done $0x0  }
0xb4: {  	[sflag:s22] =	ssyncadd.s32 $0xFFFFE000;
	s10 =	sadd.s32 s9, s10  }
0xb5: {  	[hbm4b:s10+s3] =	stream.linear.scatter [tilespmem:s12], [sflag:$0xB], $0x2000, $0x38;
	[tilespmem:$0x15C00] =	vst v63  }
0xb6: {  	_ =	swait.ge [sflag:s23], $0x2000  }
0xb7: {  	s10 =	rddreg [dreg:$0x4];
	[sflag:s23] =	ssyncset.done $0x0  }
0xb8: {  	[sflag:s23] =	ssyncadd.s32 $0xFFFFE000;
	s10 =	sadd.s32 s9, s10  }
0xb9: {  	[hbm4b:s10+s3] =	stream.linear.scatter [tilespmem:s13], [sflag:$0xC], $0x2000, $0x38;
	[tilespmem:$0x15C00] =	vst v63  }
0xba: {  	_ =	swait.ge [sflag:s24], $0x2000  }
0xbb: {  	s10 =	rddreg [dreg:$0xd];
	[sflag:s24] =	ssyncset.done $0x0  }
0xbc: {  	[sflag:s24] =	ssyncadd.s32 $0xFFFFE000;
	s10 =	sadd.s32 s9, s10  }
0xbd: {  	[hbm4b:s10+s3] =	stream.linear.scatter [tilespmem:s14], [sflag:$0xD], $0x2000, $0x38;
	[tilespmem:$0x15C00] =	vst v63  }
0xbe: {  	_ =	swait.ge [sflag:s25], $0x2000  }
0xbf: {  	s10 =	rddreg [dreg:$0xc];
	[sflag:s25] =	ssyncset.done $0x0  }
0xc0: {  	[sflag:s25] =	ssyncadd.s32 $0xFFFFE000;
	s10 =	sadd.s32 s9, s10  }
0xc1: {  	[hbm4b:s10+s3] =	stream.linear.scatter [tilespmem:s15], [sflag:$0xE], $0x2000, $0x38;
	[tilespmem:$0x15C00] =	vst v63  }
0xc2: {  	_ =	swait.ge [sflag:s26], $0x2000  }
0xc3: {  	s10 =	rddreg [dreg:$0xb];
	[sflag:s26] =	ssyncset.done $0x0  }
0xc4: {  	[sflag:s26] =	ssyncadd.s32 $0xFFFFE000;
	s10 =	sadd.s32 s9, s10  }
0xc5: {  	[hbm4b:s10+s3] =	stream.linear.scatter [tilespmem:s16], [sflag:$0xF], $0x2000, $0x38;
	[tilespmem:$0x15C00] =	vst v63  }
0xc6: {  	_ =	swait.ge [sflag:s28], $0x2000  }
0xc7: {  	s10 =	rddreg [dreg:$0xa];
	[sflag:s28] =	ssyncset.done $0x0  }
0xc8: {  	[sflag:s28] =	ssyncadd.s32 $0xFFFFE000;
	s10 =	sadd.s32 s9, s10  }
0xc9: {  	[hbm4b:s10+s3] =	stream.linear.scatter [tilespmem:s17], [sflag:$0x10], $0x2000, $0x38;
	[tilespmem:$0x15C00] =	vst v63  }
0xca: {  	_ =	swait.ge [sflag:s29], $0x2000  }
0xcb: {  	s10 =	rddreg [dreg:$0x9];
	[sflag:s29] =	ssyncset.done $0x0  }
0xcc: {  	[sflag:s29] =	ssyncadd.s32 $0xFFFFE000;
	s10 =	sadd.s32 s9, s10  }
0xcd: {  	[hbm4b:s10+s3] =	stream.linear.scatter [tilespmem:s18], [sflag:$0x11], $0x2000, $0x38;
	[tilespmem:$0x15C00] =	vst v63  }
0xce: {  	_ =	swait.ge [sflag:s30], $0x2000  }
0xcf: {  	s10 =	rddreg [dreg:$0x8];
	[sflag:s30] =	ssyncset.done $0x0  }
0xd0: {  	s4 =	smov.u32 s6;
	[sflag:s30] =	ssyncadd.s32 $0xFFFFE000;
	s10 =	sadd.s32 s9, s10  }
0xd1: {  	[hbm4b:s10+s3] =	stream.linear.scatter [tilespmem:s19], [sflag:$0x12], $0x2000, $0x38;
	[tilespmem:$0x15C00] =	vst v63  }
0xd2: {  	s6 =	sadd.s32 $0x50000, s6;
	p2 =	seq.s32 s4, $0x0;
	_ =	swait.ge [sflag:s31], $0x2000  }
0xd3: {  	p1 =	sne.s32 s6, $0x320000;
	s10 =	rddreg [dreg:$0x7];
	[sflag:s31] =	ssyncset.done $0x0  }
.Ltmp0:
0xd4: {  	[sflag:s31] =	ssyncadd.s32 $0xFFFFE000;
	s10 =	sadd.s32 s9, s10;
	(pc) =	sbr.rel @p1 .LBB2_2-.Ltmp0, $4  }
0xd5: {  	[hbm4b:s10+s3] =	stream.linear.scatter [tilespmem:s20], [sflag:$0x13], $0x2000, $0x38;
	[tilespmem:$0x15C00] =	vst v63  }
0xd6: {  	p0 =	por p2, p2;
	_ =	swait.ge [sflag:s0], $0x2000  }
0xd7: {  	s5 =	sadd.s32 $0x280, s5;
	[sflag:s0] =	ssyncset.done $0x0;
	s10 =	rddreg [dreg:$0x6]  }
0xd8: {  	[sflag:s0] =	ssyncadd.s32 $0xFFFFE000;
	s10 =	sadd.s32 s9, s10;
	s9 =	smov.u32 s4  }
0xd9: {  	[hbm4b:s10+s3] =	stream.linear.scatter [tilespmem:s21], [sflag:$0x14], $0x2000, $0x38;
	[tilespmem:$0x15C00] =	vst v63  }
0xda: {  	s4 =	simm.s32 @!p0 $0xB  }
0xdb: {  	_ =	swait.ge @!p0 [sflag:s4], $0x2000  }
0xdc: {  	[sflag:s4] =	ssyncset.done @!p0 $0x0  }
0xdd: {  	[sflag:s4] =	ssyncadd.s32 @!p0 $0xFFFFE000;
	s4 =	simm.s32 @!p0 $0xC  }
0xde: {  	_ =	swait.ge @!p0 [sflag:s4], $0x2000  }
0xdf: {  	[sflag:s4] =	ssyncset.done @!p0 $0x0  }
0xe0: {  	[sflag:s4] =	ssyncadd.s32 @!p0 $0xFFFFE000;
	s4 =	simm.s32 @!p0 $0xD  }
0xe1: {  	_ =	swait.ge @!p0 [sflag:s4], $0x2000  }
0xe2: {  	[sflag:s4] =	ssyncset.done @!p0 $0x0  }
0xe3: {  	[sflag:s4] =	ssyncadd.s32 @!p0 $0xFFFFE000;
	s4 =	simm.s32 @!p0 $0xE  }
0xe4: {  	_ =	swait.ge @!p0 [sflag:s4], $0x2000  }
0xe5: {  	[sflag:s4] =	ssyncset.done @!p0 $0x0  }
0xe6: {  	[sflag:s4] =	ssyncadd.s32 @!p0 $0xFFFFE000;
	s4 =	simm.s32 @!p0 $0xF  }
0xe7: {  	_ =	swait.ge @!p0 [sflag:s4], $0x2000  }
0xe8: {  	[sflag:s4] =	ssyncset.done @!p0 $0x0  }
0xe9: {  	[sflag:s4] =	ssyncadd.s32 @!p0 $0xFFFFE000;
	s4 =	simm.s32 @!p0 $0x10  }
0xea: {  	_ =	swait.ge @!p0 [sflag:s4], $0x2000  }
0xeb: {  	[sflag:s4] =	ssyncset.done @!p0 $0x0  }
0xec: {  	[sflag:s4] =	ssyncadd.s32 @!p0 $0xFFFFE000;
	s4 =	simm.s32 @!p0 $0x11  }
0xed: {  	_ =	swait.ge @!p0 [sflag:s4], $0x2000  }
0xee: {  	[sflag:s4] =	ssyncset.done @!p0 $0x0  }
0xef: {  	[sflag:s4] =	ssyncadd.s32 @!p0 $0xFFFFE000;
	s4 =	simm.s32 @!p0 $0x12  }
0xf0: {  	_ =	swait.ge @!p0 [sflag:s4], $0x2000  }
0xf1: {  	[sflag:s4] =	ssyncset.done @!p0 $0x0  }
0xf2: {  	[sflag:s4] =	ssyncadd.s32 @!p0 $0xFFFFE000;
	s4 =	simm.s32 @!p0 $0x13  }
0xf3: {  	_ =	swait.ge @!p0 [sflag:s4], $0x2000  }
0xf4: {  	[sflag:s4] =	ssyncset.done @!p0 $0x0  }
0xf5: {  	[sflag:s4] =	ssyncadd.s32 @!p0 $0xFFFFE000;
	s4 =	simm.s32 @!p0 $0x14  }
0xf6: {  	_ =	swait.ge @!p0 [sflag:s4], $0x2000  }
0xf7: {  	[sflag:s4] =	ssyncset.done @!p0 $0x0  }
0xf8: {  	s10 =	sadd.s32 $0xFFFFFDC0, s5;
	[sflag:s4] =	ssyncadd.s32 @!p0 $0xFFFFE000  }
0xf9: {  	[tilespmem:s12], [sflag:$0x1] =	stream.indirect.gather [hbm4b:s2+s11], $0x80, s10, s11, $0xb8;
	[tilespmem:$0x15C00] =	vst v63  }
0xfa: {  	s6 =	sadd.s32 $0xFFFFFE00, s5  }
0xfb: {  	[tilespmem:s13], [sflag:$0x2] =	stream.indirect.gather [hbm4b:s2+s11], $0x80, s6, s11, $0xb8;
	[tilespmem:$0x15C00] =	vst v63  }
0xfc: {  	s10 =	sadd.s32 $0xFFFFFE40, s5  }
0xfd: {  	[tilespmem:s14], [sflag:$0x3] =	stream.indirect.gather [hbm4b:s2+s11], $0x80, s10, s11, $0xb8;
	[tilespmem:$0x15C00] =	vst v63  }
0xfe: {  	s6 =	sadd.s32 $0xFFFFFE80, s5  }
0xff: {  	[tilespmem:s15], [sflag:$0x4] =	stream.indirect.gather [hbm4b:s2+s11], $0x80, s6, s11, $0xb8;
	[tilespmem:$0x15C00] =	vst v63  }
0x100: {  	s10 =	sadd.s32 $0xFFFFFEC0, s5  }
0x101: {  	[tilespmem:s16], [sflag:$0x5] =	stream.indirect.gather [hbm4b:s2+s11], $0x80, s10, s11, $0xb8;
	[tilespmem:$0x15C00] =	vst v63  }
0x102: {  	s6 =	sadd.s32 $0xFFFFFF00, s5  }
0x103: {  	[tilespmem:s17], [sflag:$0x6] =	stream.indirect.gather [hbm4b:s2+s11], $0x80, s6, s11, $0xb8;
	[tilespmem:$0x15C00] =	vst v63  }
0x104: {  	s10 =	sadd.s32 $0xFFFFFF40, s5  }
0x105: {  	[tilespmem:s18], [sflag:$0x7] =	stream.indirect.gather [hbm4b:s2+s11], $0x80, s10, s11, $0xb8;
	[tilespmem:$0x15C00] =	vst v63  }
0x106: {  	s6 =	sadd.s32 $0xFFFFFF80, s5  }
0x107: {  	[tilespmem:s19], [sflag:$0x8] =	stream.indirect.gather [hbm4b:s2+s11], $0x80, s6, s11, $0xb8;
	[tilespmem:$0x15C00] =	vst v63  }
0x108: {  	s10 =	sadd.s32 $0xFFFFFFC0, s5  }
0x109: {  	[tilespmem:s20], [sflag:$0x9] =	stream.indirect.gather [hbm4b:s2+s11], $0x80, s10, s11, $0xb8;
	[tilespmem:$0x15C00] =	vst v63  }
0x10a: {  	_ = 	snop  }
0x10b: {  	[tilespmem:s21], [sflag:$0xA] =	stream.indirect.gather [hbm4b:s2+s11], $0x80, s5, s11, $0xb8;
	[tilespmem:$0x15C00] =	vst v63  }
0x10c: {  	_ =	swait.ge [sflag:s22], $0x2000  }
0x10d: {  	s6 =	rddreg [dreg:$0x5];
	[sflag:s22] =	ssyncset.done $0x0  }
0x10e: {  	[sflag:s22] =	ssyncadd.s32 $0xFFFFE000;
	s4 =	sadd.s32 s9, s6  }
0x10f: {  	[hbm4b:s4+s3] =	stream.linear.scatter [tilespmem:s12], [sflag:$0xB], $0x2000, $0x38;
	[tilespmem:$0x15C00] =	vst v63  }
0x110: {  	_ =	swait.ge [sflag:s23], $0x2000  }
0x111: {  	s10 =	rddreg [dreg:$0x4];
	[sflag:s23] =	ssyncset.done $0x0  }
0x112: {  	[sflag:s23] =	ssyncadd.s32 $0xFFFFE000;
	s4 =	sadd.s32 s9, s10  }
0x113: {  	[hbm4b:s4+s3] =	stream.linear.scatter [tilespmem:s13], [sflag:$0xC], $0x2000, $0x38;
	[tilespmem:$0x15C00] =	vst v63  }
0x114: {  	_ =	swait.ge [sflag:s24], $0x2000  }
0x115: {  	s5 =	rddreg [dreg:$0xd];
	[sflag:s24] =	ssyncset.done $0x0  }
0x116: {  	[sflag:s24] =	ssyncadd.s32 $0xFFFFE000;
	s4 =	sadd.s32 s9, s5  }
0x117: {  	[hbm4b:s4+s3] =	stream.linear.scatter [tilespmem:s14], [sflag:$0xD], $0x2000, $0x38;
	[tilespmem:$0x15C00] =	vst v63  }
0x118: {  	_ =	swait.ge [sflag:s25], $0x2000  }
0x119: {  	s6 =	rddreg [dreg:$0xc];
	[sflag:s25] =	ssyncset.done $0x0  }
0x11a: {  	[sflag:s25] =	ssyncadd.s32 $0xFFFFE000;
	s4 =	sadd.s32 s9, s6  }
0x11b: {  	[hbm4b:s4+s3] =	stream.linear.scatter [tilespmem:s15], [sflag:$0xE], $0x2000, $0x38;
	[tilespmem:$0x15C00] =	vst v63  }
0x11c: {  	_ =	swait.ge [sflag:s26], $0x2000  }
0x11d: {  	s10 =	rddreg [dreg:$0xb];
	[sflag:s26] =	ssyncset.done $0x0  }
0x11e: {  	[sflag:s26] =	ssyncadd.s32 $0xFFFFE000;
	s4 =	sadd.s32 s9, s10  }
0x11f: {  	[hbm4b:s4+s3] =	stream.linear.scatter [tilespmem:s16], [sflag:$0xF], $0x2000, $0x38;
	[tilespmem:$0x15C00] =	vst v63  }
0x120: {  	_ =	swait.ge [sflag:s28], $0x2000  }
0x121: {  	s5 =	rddreg [dreg:$0xa];
	[sflag:s28] =	ssyncset.done $0x0  }
0x122: {  	[sflag:s28] =	ssyncadd.s32 $0xFFFFE000;
	s4 =	sadd.s32 s9, s5  }
0x123: {  	[hbm4b:s4+s3] =	stream.linear.scatter [tilespmem:s17], [sflag:$0x10], $0x2000, $0x38;
	[tilespmem:$0x15C00] =	vst v63  }
0x124: {  	_ =	swait.ge [sflag:s29], $0x2000  }
0x125: {  	s6 =	rddreg [dreg:$0x9];
	[sflag:s29] =	ssyncset.done $0x0  }
0x126: {  	[sflag:s29] =	ssyncadd.s32 $0xFFFFE000;
	s4 =	sadd.s32 s9, s6  }
0x127: {  	[hbm4b:s4+s3] =	stream.linear.scatter [tilespmem:s18], [sflag:$0x11], $0x2000, $0x38;
	[tilespmem:$0x15C00] =	vst v63  }
0x128: {  	_ =	swait.ge [sflag:s30], $0x2000  }
0x129: {  	s10 =	rddreg [dreg:$0x8];
	[sflag:s30] =	ssyncset.done $0x0  }
0x12a: {  	[sflag:s30] =	ssyncadd.s32 $0xFFFFE000;
	s4 =	sadd.s32 s9, s10  }
0x12b: {  	[hbm4b:s4+s3] =	stream.linear.scatter [tilespmem:s19], [sflag:$0x12], $0x2000, $0x38;
	[tilespmem:$0x15C00] =	vst v63  }
0x12c: {  	_ =	swait.ge [sflag:s31], $0x2000  }
0x12d: {  	s5 =	rddreg [dreg:$0x7];
	[sflag:s31] =	ssyncset.done $0x0  }
0x12e: {  	[sflag:s31] =	ssyncadd.s32 $0xFFFFE000;
	s4 =	sadd.s32 s9, s5  }
0x12f: {  	[hbm4b:s4+s3] =	stream.linear.scatter [tilespmem:s20], [sflag:$0x13], $0x2000, $0x38;
	[tilespmem:$0x15C00] =	vst v63  }
0x130: {  	_ =	swait.ge [sflag:s0], $0x2000  }
0x131: {  	s6 =	rddreg [dreg:$0x6];
	[sflag:s0] =	ssyncset.done $0x0  }
0x132: {  	s10 =	simm.s32 $0xB;
	s4 =	sadd.s32 s9, s6;
	[sflag:s0] =	ssyncadd.s32 $0xFFFFE000  }
0x133: {  	[hbm4b:s4+s3] =	stream.linear.scatter [tilespmem:s21], [sflag:$0x14], $0x2000, $0x38;
	[tilespmem:$0x15C00] =	vst v63  }
0x134: {  	_ =	swait.ge [sflag:s10], $0x2000  }
0x135: {  	[sflag:s10] =	ssyncset.done $0x0  }
0x136: {  	s5 =	simm.s32 $0xC;
	[sflag:s10] =	ssyncadd.s32 $0xFFFFE000  }
0x137: {  	_ =	swait.ge [sflag:s5], $0x2000  }
0x138: {  	[sflag:s5] =	ssyncset.done $0x0  }
0x139: {  	s6 =	simm.s32 $0xD;
	[sflag:s5] =	ssyncadd.s32 $0xFFFFE000  }
0x13a: {  	_ =	swait.ge [sflag:s6], $0x2000  }
0x13b: {  	[sflag:s6] =	ssyncset.done $0x0  }
0x13c: {  	s9 =	simm.s32 $0xE;
	[sflag:s6] =	ssyncadd.s32 $0xFFFFE000  }
0x13d: {  	_ =	swait.ge [sflag:s9], $0x2000  }
0x13e: {  	[sflag:s9] =	ssyncset.done $0x0  }
0x13f: {  	s10 =	simm.s32 $0xF;
	[sflag:s9] =	ssyncadd.s32 $0xFFFFE000  }
0x140: {  	_ =	swait.ge [sflag:s10], $0x2000  }
0x141: {  	[sflag:s10] =	ssyncset.done $0x0  }
0x142: {  	s5 =	simm.s32 $0x10;
	[sflag:s10] =	ssyncadd.s32 $0xFFFFE000  }
0x143: {  	_ =	swait.ge [sflag:s5], $0x2000  }
0x144: {  	[sflag:s5] =	ssyncset.done $0x0  }
0x145: {  	s6 =	simm.s32 $0x11;
	[sflag:s5] =	ssyncadd.s32 $0xFFFFE000  }
0x146: {  	_ =	swait.ge [sflag:s6], $0x2000  }
0x147: {  	[sflag:s6] =	ssyncset.done $0x0  }
0x148: {  	s9 =	simm.s32 $0x12;
	[sflag:s6] =	ssyncadd.s32 $0xFFFFE000  }
0x149: {  	_ =	swait.ge [sflag:s9], $0x2000  }
0x14a: {  	[sflag:s9] =	ssyncset.done $0x0  }
0x14b: {  	[sflag:s9] =	ssyncadd.s32 $0xFFFFE000  }
0x14c: {  	_ =	swait.ge [sflag:s1], $0x2000  }
0x14d: {  	[sflag:s1] =	ssyncset.done $0x0  }
0x14e: {  	[sflag:s1] =	ssyncadd.s32 $0xFFFFE000  }
0x14f: {  	_ =	swait.ge [sflag:s7], $0x2000  }
0x150: {  	s8 =	sadd.s32 $0x1, s8;
	s10 =	rddreg [dreg:$0x10]  }
0x151: {  	p0 =	sne.s32 s8, s10  }
.Ltmp1:
0x152: {  	_ = 	snop;
	(pc) =	sbr.rel @p0 .LBB2_1-.Ltmp1, $3  }
0x153: {  	_ =	sdelay $0x1  }
0x154: {  	[sflag:s7] =	ssyncset.done $0x0  }
0x155: {  	[sflag:s7] =	ssyncadd.s32 $0xFFFFE000  }
0x156: {  	_ =	sfence.sel $0x180000  }
0x157: {  	[bflag:$0x0] =	sbarrier.arrive $0xFFFF  }
0x158: {  	_ =	strace $0x90000047  }
0x159: {  	s0 =	stileid.u32;
	[bflag:$0x2] =	sbarrier.arrive $0xFFFF  }
0x15a: {  	p0 =	sne.s32 s0, $0x0;
	s0 =	rddreg [dreg:$0x3]  }
0x15b: {  	s0 =	sadd.s32 @!p0 $0x100000, s0  }
0x15c: {  	[sflag:s0] =	ssyncadd.tile.s32 @!p0 $0x1;
	_ =	shalt  }
.Lfunc_end2:
_tile_overlayer_lowered:
.L_overlay_start_2:
0x15d: {  	(tag) =	ssettag $0x2  }
0x15e: {  	s0 =	rddreg [dreg:$0x0];
	s2 =	stileid.u32  }
0x15f: {  	s1 =	rddreg [dreg:$0x1];
	p0 =	sne.s32 s2, $0x0  }
0x160: {  	s3 =	rddreg [dreg:$0x2];
	[bflag:$0x3] =	sbarrier.arrive $0xFFFF;
	s2 =	simm.s32 @!p0 $0x1C15  }
0x161: {  	[timem:s3], [sflag:s2] =	dma.local @!p0 [hbm:s0], s1  }
0x162: {  	s0 =	simm.s32 @!p0 $0x15  }
0x163: {  	_ =	swait.ge @!p0 [sflag:s0], s1  }
0x164: {  	s1 =	ssub.s32 @!p0 $0x0, s1;
	[sflag:s0] =	ssyncset.done @!p0 $0x0  }
0x165: {  	[sflag:s0] =	ssyncadd.s32 @!p0 s1  }
0x166: {  	[bflag:$0x3] =	sbarrier.arrive $0xFFFF  }
0x167: {  	_ =	shalt  }

</sc_bundles>
